<compile_context>
chip_gen: v7x
topology: tpu7x:2x2x1
jax: 0.10.2.dev20260603
libtpu: 0.0.44.dev20260713+nightly
codegen_flags: <defaults>
</compile_context>

<pallas_src>
import functools

import jax
import jax.numpy as jnp
from jax import lax
from jax.experimental import pallas as pl
from jax.experimental.pallas import tpu as pltpu
from jax.experimental.pallas import tpu_sc as plsc

N = 10000
E = 320000
D = 128
MH = 200
MHP = 256
NPAD = 10240
BM = 1024
NC = 2
NS = 16
EB = 128
NTILES = NC * NS
CB = 8
NB = 80
EPAD = NTILES * NB * EB
RPT = NPAD // NS

_f32 = jnp.float32


def _sc_agg():
    mesh = plsc.VectorSubcoreMesh(core_axis_name="c", subcore_axis_name="s")
    scratch = [
        pltpu.VMEM_SHARED((NPAD, D), _f32),
        pltpu.VMEM((CB, EB), jnp.int32),
        pltpu.VMEM((CB, EB), jnp.int32),
        pltpu.VMEM((EB, D), _f32),
    ]

    def body(src_hbm, dst_hbm, y_hbm, z2_hbm, part_hbm, acc, idx_s, idx_d,
             rows):
        c = lax.axis_index("c")
        s = lax.axis_index("s")
        tile = c * NS + s
        pltpu.sync_copy(z2_hbm, acc.at[pl.ds(s * RPT, RPT)])
        plsc.subcore_barrier()

        def chunk(chi, carry):
            off = pl.multiple_of(chi * CB, CB)
            pltpu.sync_copy(src_hbm.at[tile, pl.ds(off, CB)], idx_s)
            pltpu.sync_copy(dst_hbm.at[tile, pl.ds(off, CB)], idx_d)

            def step(b, cc):
                pltpu.sync_copy(y_hbm.at[idx_s.at[b]], rows)
                pltpu.sync_copy(rows, acc.at[idx_d.at[b]], add=True)
                return cc

            lax.fori_loop(0, CB, step, 0)
            return carry

        lax.fori_loop(0, NB // CB, chunk, 0)
        plsc.subcore_barrier()
        pltpu.sync_copy(acc.at[pl.ds(s * RPT, RPT)],
                        part_hbm.at[pl.ds(c * NPAD + s * RPT, RPT)])

    return pl.kernel(
        body, out_type=(jax.ShapeDtypeStruct((NC * NPAD, D), _f32),),
        mesh=mesh, scratch_types=scratch)


def _sc_cnt():
    mesh = plsc.VectorSubcoreMesh(core_axis_name="c", subcore_axis_name="s")
    scratch = [
        pltpu.VMEM_SHARED((NPAD, D), _f32),
        pltpu.VMEM((CB, EB), jnp.int32),
        pltpu.VMEM((EB, D), _f32),
    ]

    def body(dst_hbm, ones_hbm, z2_hbm, cnt_hbm, acc, idx_d, ones_v):
        c = lax.axis_index("c")
        s = lax.axis_index("s")
        tile = c * NS + s
        pltpu.sync_copy(z2_hbm, acc.at[pl.ds(s * RPT, RPT)])
        pltpu.sync_copy(ones_hbm, ones_v)
        plsc.subcore_barrier()

        def chunk(chi, carry):
            off = pl.multiple_of(chi * CB, CB)
            pltpu.sync_copy(dst_hbm.at[tile, pl.ds(off, CB)], idx_d)

            def step(b, cc):
                pltpu.sync_copy(ones_v, acc.at[idx_d.at[b]], add=True)
                return cc

            lax.fori_loop(0, CB, step, 0)
            return carry

        lax.fori_loop(0, NB // CB, chunk, 0)
        plsc.subcore_barrier()
        pltpu.sync_copy(acc.at[pl.ds(s * RPT, RPT)],
                        cnt_hbm.at[pl.ds(c * NPAD + s * RPT, RPT)])

    return pl.kernel(
        body, out_type=(jax.ShapeDtypeStruct((NC * NPAD, D), _f32),),
        mesh=mesh, scratch_types=scratch)


_DOT = functools.partial(jnp.dot, preferred_element_type=_f32,
                         precision=lax.Precision.HIGHEST)


def _mm_body(x_ref, w_ref, o_ref):
    o_ref[...] = _DOT(x_ref[...], w_ref[...])


def _layer_body(p0_ref, p1_ref, y_ref, c0_ref, c1_ref, b_ref, w_ref, o_ref):
    cnt = c0_ref[...] + c1_ref[...]
    recip = 1.0 / (cnt + 2.0)
    agg = p0_ref[...] + p1_ref[...] + 2.0 * y_ref[...]
    h = jnp.maximum(agg * recip + b_ref[...], 0.0)
    o_ref[...] = _DOT(h, w_ref[...])


def _mlp_body(p0_ref, p1_ref, y_ref, c0_ref, c1_ref, b_ref, wm_ref, bm_ref,
              z_ref, sum_ref, sq_ref):
    i = pl.program_id(0)
    cnt = c0_ref[...] + c1_ref[...]
    recip = 1.0 / (cnt + 2.0)
    agg = p0_ref[...] + p1_ref[...] + 2.0 * y_ref[...]
    h = jnp.maximum(agg * recip + b_ref[...], 0.0)
    z = jnp.maximum(_DOT(h, wm_ref[...]) + bm_ref[...], 0.0)
    z_ref[...] = z
    row = i * BM + lax.broadcasted_iota(jnp.int32, (BM, 1), 0)
    zm = jnp.where(row < N, z, 0.0)
    @pl.when(i == 0)
    def _():
        sum_ref[...] = jnp.zeros_like(sum_ref)
        sq_ref[...] = jnp.zeros_like(sq_ref)
    sum_ref[...] += jnp.sum(zm, axis=0, keepdims=True)
    sq_ref[...] += jnp.sum(zm * zm, axis=0, keepdims=True)


def _out_body(z_ref, sum_ref, sq_ref, g_ref, bt_ref, wm2_ref, bm2_ref, o_ref):
    inv_n = 1.0 / N
    mu = sum_ref[...] * inv_n
    var = sq_ref[...] * inv_n - mu * mu
    a = g_ref[...] * lax.rsqrt(var + 1e-5)
    zn = z_ref[...] * a + (bt_ref[...] - mu * a)
    v = _DOT(zn, wm2_ref[...]) + bm2_ref[...]
    o_ref[...] = 1.0 / (1.0 + jnp.exp(-v))


def _row_block(i):
    return (i, 0)


def _const_block(i):
    return (0, 0)


def _tc_matmul(x, w):
    return pl.pallas_call(
        _mm_body,
        grid=(NPAD // BM,),
        in_specs=[pl.BlockSpec((BM, x.shape[1]), _row_block),
                  pl.BlockSpec(w.shape, _const_block)],
        out_specs=pl.BlockSpec((BM, w.shape[1]), _row_block),
        out_shape=jax.ShapeDtypeStruct((NPAD, w.shape[1]), _f32),
    )(x, w)


def _tc_layer(p0, p1, y, c0, c1, brow, w):
    return pl.pallas_call(
        _layer_body,
        grid=(NPAD // BM,),
        in_specs=[pl.BlockSpec((BM, D), _row_block),
                  pl.BlockSpec((BM, D), _row_block),
                  pl.BlockSpec((BM, D), _row_block),
                  pl.BlockSpec((BM, 1), _row_block),
                  pl.BlockSpec((BM, 1), _row_block),
                  pl.BlockSpec((1, D), _const_block),
                  pl.BlockSpec((D, D), _const_block)],
        out_specs=pl.BlockSpec((BM, D), _row_block),
        out_shape=jax.ShapeDtypeStruct((NPAD, D), _f32),
    )(p0, p1, y, c0, c1, brow, w)


def _tc_mlp(p0, p1, y, c0, c1, brow, wm, bmrow):
    return pl.pallas_call(
        _mlp_body,
        grid=(NPAD // BM,),
        in_specs=[pl.BlockSpec((BM, D), _row_block),
                  pl.BlockSpec((BM, D), _row_block),
                  pl.BlockSpec((BM, D), _row_block),
                  pl.BlockSpec((BM, 1), _row_block),
                  pl.BlockSpec((BM, 1), _row_block),
                  pl.BlockSpec((1, D), _const_block),
                  pl.BlockSpec((D, MHP), _const_block),
                  pl.BlockSpec((1, MHP), _const_block)],
        out_specs=[pl.BlockSpec((BM, MHP), _row_block),
                   pl.BlockSpec((1, MHP), _const_block),
                   pl.BlockSpec((1, MHP), _const_block)],
        out_shape=[jax.ShapeDtypeStruct((NPAD, MHP), _f32),
                   jax.ShapeDtypeStruct((1, MHP), _f32),
                   jax.ShapeDtypeStruct((1, MHP), _f32)],
    )(p0, p1, y, c0, c1, brow, wm, bmrow)


def _tc_out(z, sums, sqs, grow, btrow, wm2, bm2row):
    return pl.pallas_call(
        _out_body,
        grid=(NPAD // BM,),
        in_specs=[pl.BlockSpec((BM, MHP), _row_block),
                  pl.BlockSpec((1, MHP), _const_block),
                  pl.BlockSpec((1, MHP), _const_block),
                  pl.BlockSpec((1, MHP), _const_block),
                  pl.BlockSpec((1, MHP), _const_block),
                  pl.BlockSpec((MHP, D), _const_block),
                  pl.BlockSpec((1, D), _const_block)],
        out_specs=pl.BlockSpec((BM, D), _row_block),
        out_shape=jax.ShapeDtypeStruct((NPAD, D), _f32),
    )(z, sums, sqs, grow, btrow, wm2, bm2row)


def kernel(x, edge_index, W1, b1, W2, b2, Wm1, bm1, gamma, beta, Wm2, bm2):
    ei = edge_index.astype(jnp.int32)
    pad_e = jnp.full((EPAD - E,), N, jnp.int32)
    src2d = jnp.concatenate([ei[0], pad_e]).reshape(NTILES, NB, EB)
    dst2d = jnp.concatenate([ei[1], pad_e]).reshape(NTILES, NB, EB)
    xp = jnp.zeros((NPAD, D), _f32).at[:N].set(x)
    z2 = jnp.zeros((RPT, D), _f32)
    ones2 = jnp.ones((EB, D), _f32)
    b1r = b1.reshape(1, D)
    b2r = b2.reshape(1, D)
    wm1p = jnp.zeros((D, MHP), _f32).at[:, :MH].set(Wm1)
    bm1r = jnp.zeros((1, MHP), _f32).at[0, :MH].set(bm1)
    gr = jnp.zeros((1, MHP), _f32).at[0, :MH].set(gamma)
    btr = jnp.zeros((1, MHP), _f32).at[0, :MH].set(beta)
    wm2p = jnp.zeros((MHP, D), _f32).at[:MH, 0:1].set(Wm2)
    bm2r = jnp.zeros((1, D), _f32) + bm2[0]

    agg = _sc_agg()
    cntk = _sc_cnt()

    (cnt,) = cntk(dst2d, ones2, z2)
    c0, c1 = cnt[:NPAD, 0:1], cnt[NPAD:, 0:1]
    y1 = _tc_matmul(xp, W1)
    (part,) = agg(src2d, dst2d, y1, z2)
    y2 = _tc_layer(part[:NPAD], part[NPAD:], y1, c0, c1, b1r, W2)
    (part2,) = agg(src2d, dst2d, y2, z2)
    z, sums, sqs = _tc_mlp(part2[:NPAD], part2[NPAD:], y2, c0, c1, b2r,
                           wm1p, bm1r)
    out = _tc_out(z, sums, sqs, gr, btr, wm2p, bm2r)
    return out[:N, 0:1]

# --- scband reference (transcript-rebuilt; emitter-appended) ---
"""Pipeline reference for scband-graphsage-5403068859076 (READ-ONLY COPY).

The authoritative reference and input builder live on the scoring server;
editing this copy changes nothing except your own understanding.
"""

import jax, jax.numpy as jnp
import numpy as np

N_NODES = 10000
N_EDGES = 320000
D_IN = 128
D_HID = 128
D_OUT = 128
MLP_HID = 200


def _sage_gcn_layer(x, src, dst, W, b):
    # DGL SAGEConv with aggregator_type='gcn':
    # h_neigh = (sum_{j in N(i)} h_j + h_i) / (in_deg(i) + 1); rst = relu(fc_neigh(h_neigh))
    n = x.shape[0]
    msgs = jnp.take(x, src, axis=0)
    neigh = jax.ops.segment_sum(msgs, dst, num_segments=n)
    deg = jax.ops.segment_sum(jnp.ones_like(dst, dtype=x.dtype), dst, num_segments=n)
    h = (neigh + x) / (deg[:, None] + 1.0)
    return jax.nn.relu(h @ W + b)


def setup_inputs(seed: int = 0) -> dict:
    key = jax.random.key(seed)
    ks = jax.random.split(key, 16)
    x = jax.random.normal(ks[0], (N_NODES, D_IN), dtype=jnp.float32)
    edge_index = jax.random.randint(ks[1], (2, N_EDGES), 0, N_NODES)
    W1 = jax.random.normal(ks[2], (D_IN, D_HID), dtype=jnp.float32) * (1.0 / np.sqrt(D_IN))
    b1 = jnp.zeros((D_HID,), dtype=jnp.float32)
    W2 = jax.random.normal(ks[3], (D_HID, D_OUT), dtype=jnp.float32) * (1.0 / np.sqrt(D_HID))
    b2 = jnp.zeros((D_OUT,), dtype=jnp.float32)
    Wm1 = jax.random.normal(ks[4], (D_OUT, MLP_HID), dtype=jnp.float32) * (1.0 / np.sqrt(D_OUT))
    bm1 = jnp.zeros((MLP_HID,), dtype=jnp.float32)
    gamma = jnp.ones((MLP_HID,), dtype=jnp.float32)
    beta = jnp.zeros((MLP_HID,), dtype=jnp.float32)
    Wm2 = jax.random.normal(ks[5], (MLP_HID, 1), dtype=jnp.float32) * (1.0 / np.sqrt(MLP_HID))
    bm2 = jnp.zeros((1,), dtype=jnp.float32)
    return {"x": x, "edge_index": edge_index, "W1": W1, "b1": b1, "W2": W2, "b2": b2,
            "Wm1": Wm1, "bm1": bm1, "gamma": gamma, "beta": beta, "Wm2": Wm2, "bm2": bm2}


def reference(x, edge_index, W1, b1, W2, b2, Wm1, bm1, gamma, beta, Wm2, bm2):
    n = x.shape[0]
    # dgl.add_self_loop(g)
    loops = jnp.arange(n, dtype=edge_index.dtype)
    src = jnp.concatenate([edge_index[0], loops])
    dst = jnp.concatenate([edge_index[1], loops])
    h = _sage_gcn_layer(x, src, dst, W1, b1)
    h = _sage_gcn_layer(h, src, dst, W2, b2)
    # MLPPredictor: Dropout(0) -> Linear -> ReLU -> BatchNorm1d (train-mode batch stats) -> Linear -> Sigmoid
    z = jax.nn.relu(h @ Wm1 + bm1)
    mu = jnp.mean(z, axis=0)
    var = jnp.var(z, axis=0)
    z = (z - mu) / jnp.sqrt(var + 1e-5) * gamma + beta
    z = z @ Wm2 + bm2
    return jax.nn.sigmoid(z)

if __name__ == "__main__":
    import jax
    _d = setup_inputs()
    print(jax.jit(kernel)(*tuple(_d.values())))

</pallas_src>

<mosaic_0001>
#map = affine_map<(d0, d1) -> (0, 0, 0)>
#map1 = affine_map<(d0, d1) -> (0, 0)>
module attributes {stable_mosaic.version = 14 : i64} {
  func.func @body(%arg0: i32, %arg1: i32, %arg2: memref<32x80x128xi32, #tpu.memory_space<hbm>>, %arg3: memref<32x80x128xi32, #tpu.memory_space<hbm>>, %arg4: memref<10240x128xf32, #tpu.memory_space<hbm>>, %arg5: memref<640x128xf32, #tpu.memory_space<hbm>>, %arg6: memref<20480x128xf32, #tpu.memory_space<hbm>>, %arg7: memref<10240x128xf32, #tpu.memory_space<vmem_shared>>, %arg8: memref<8x128xi32, #tpu.memory_space<vmem>>, %arg9: memref<8x128xi32, #tpu.memory_space<vmem>>, %arg10: memref<128x128xf32, #tpu.memory_space<vmem>>) attributes {dimension_semantics = [#tpu.dimension_semantics<core_parallel>, #tpu.dimension_semantics<subcore_parallel>], iteration_bounds = array<i64: 2, 16>, scalar_prefetch = 0 : i64, scratch_operands = 4 : i64, tpu.core_type = #tpu.core_type<sc_vector_subcore>, window_params = [{transform_indices = #map}, {transform_indices = #map}, {transform_indices = #map1}, {transform_indices = #map1}, {transform_indices = #map1}]} {
    %mul3A = arith.constant 16 : i32
    %mul3A_0 = arith.muli %arg0, %mul3A : i32
    %add3A = arith.addi %mul3A_0, %arg1 : i32
    %mul3A_1 = arith.constant 640 : i32
    %mul3A_2 = arith.muli %arg1, %mul3A_1 : i32
    "tpu.region"() ({
      %run_scoped3A = tpu.sem_alloc : memref<!tpu.dma_semaphore, #tpu.memory_space<semaphore_mem>>
      %dma_start3A = arith.constant 0 : i32
      %dma_start3A_16 = tpu.memref_slice %arg7[%mul3A_2, %dma_start3A] : memref<10240x128xf32, #tpu.memory_space<vmem_shared>> -> memref<640x128xf32, #tpu.memory_space<vmem_shared>>
      tpu.enqueue_dma source(%arg5 : memref<640x128xf32, #tpu.memory_space<hbm>>) target(%dma_start3A_16 : memref<640x128xf32, #tpu.memory_space<vmem_shared>>) target_semaphore(%run_scoped3A : memref<!tpu.dma_semaphore, #tpu.memory_space<semaphore_mem>>)
      %dma_wait3A = arith.constant 0 : i32
      %dma_wait3A_17 = tpu.memref_slice %arg7[%mul3A_2, %dma_wait3A] : memref<10240x128xf32, #tpu.memory_space<vmem_shared>> -> memref<640x128xf32, #tpu.memory_space<vmem_shared>>
      tpu.wait_dma2 semaphore(%run_scoped3A : memref<!tpu.dma_semaphore, #tpu.memory_space<semaphore_mem>>) src(%arg5 : memref<640x128xf32, #tpu.memory_space<hbm>>) dst(%dma_wait3A_17 : memref<640x128xf32, #tpu.memory_space<vmem_shared>>)
      tpu.yield
    }) : () -> ()
    %barrier3A = arith.constant 0 : index
    tpu.barrier barrier_id(%barrier3A)
    %scan3A = arith.constant 0 : i32
    %scan3A_3 = arith.constant 0 : i32
    %scan3A_4 = arith.constant 10 : i32
    %scan3A_5 = arith.addi %scan3A_3, %scan3A_4 : i32
    %scan3A_6 = arith.constant 1 : i32
    scf.for %scan3A_16 = %scan3A_3 to %scan3A_5 step %scan3A_6  : i32 {
      %mul3A_17 = arith.constant 8 : i32
      %mul3A_18 = arith.muli %scan3A_16, %mul3A_17 : i32
      %multiple_of3A = tpu.assume_multiple %mul3A_18, 8 : i32
      "tpu.region"() ({
        %run_scoped3A = tpu.sem_alloc : memref<!tpu.dma_semaphore, #tpu.memory_space<semaphore_mem>>
        %dma_start3A = arith.constant 0 : i32
        %dma_start3A_25 = tpu.memref_slice %arg2[%add3A, %multiple_of3A, %dma_start3A] : memref<32x80x128xi32, #tpu.memory_space<hbm>> -> memref<1x8x128xi32, #tpu.memory_space<hbm>>
        %dma_start3A_26 = tpu.memref_squeeze %dma_start3A_25 : memref<1x8x128xi32, #tpu.memory_space<hbm>> -> memref<8x128xi32, #tpu.memory_space<hbm>>
        %dma_start3A_27 = arith.constant 0 : i32
        %dma_start3A_28 = tpu.memref_slice %arg2[%add3A, %multiple_of3A, %dma_start3A_27] : memref<32x80x128xi32, #tpu.memory_space<hbm>> -> memref<1x8x128xi32, #tpu.memory_space<hbm>>
        %dma_start3A_29 = tpu.memref_squeeze %dma_start3A_28 : memref<1x8x128xi32, #tpu.memory_space<hbm>> -> memref<8x128xi32, #tpu.memory_space<hbm>>
        tpu.enqueue_dma source(%dma_start3A_29 : memref<8x128xi32, #tpu.memory_space<hbm>>) target(%arg8 : memref<8x128xi32, #tpu.memory_space<vmem>>) target_semaphore(%run_scoped3A : memref<!tpu.dma_semaphore, #tpu.memory_space<semaphore_mem>>)
        %dma_wait3A = arith.constant 0 : i32
        %dma_wait3A_30 = tpu.memref_slice %arg2[%add3A, %multiple_of3A, %dma_wait3A] : memref<32x80x128xi32, #tpu.memory_space<hbm>> -> memref<1x8x128xi32, #tpu.memory_space<hbm>>
        %dma_wait3A_31 = tpu.memref_squeeze %dma_wait3A_30 : memref<1x8x128xi32, #tpu.memory_space<hbm>> -> memref<8x128xi32, #tpu.memory_space<hbm>>
        %dma_wait3A_32 = arith.constant 0 : i32
        %dma_wait3A_33 = tpu.memref_slice %arg2[%add3A, %multiple_of3A, %dma_wait3A_32] : memref<32x80x128xi32, #tpu.memory_space<hbm>> -> memref<1x8x128xi32, #tpu.memory_space<hbm>>
        %dma_wait3A_34 = tpu.memref_squeeze %dma_wait3A_33 : memref<1x8x128xi32, #tpu.memory_space<hbm>> -> memref<8x128xi32, #tpu.memory_space<hbm>>
        tpu.wait_dma2 semaphore(%run_scoped3A : memref<!tpu.dma_semaphore, #tpu.memory_space<semaphore_mem>>) src(%dma_wait3A_34 : memref<8x128xi32, #tpu.memory_space<hbm>>) dst(%arg8 : memref<8x128xi32, #tpu.memory_space<vmem>>)
        tpu.yield
      }) : () -> ()
      "tpu.region"() ({
        %run_scoped3A = tpu.sem_alloc : memref<!tpu.dma_semaphore, #tpu.memory_space<semaphore_mem>>
        %dma_start3A = arith.constant 0 : i32
        %dma_start3A_25 = tpu.memref_slice %arg3[%add3A, %multiple_of3A, %dma_start3A] : memref<32x80x128xi32, #tpu.memory_space<hbm>> -> memref<1x8x128xi32, #tpu.memory_space<hbm>>
        %dma_start3A_26 = tpu.memref_squeeze %dma_start3A_25 : memref<1x8x128xi32, #tpu.memory_space<hbm>> -> memref<8x128xi32, #tpu.memory_space<hbm>>
        %dma_start3A_27 = arith.constant 0 : i32
        %dma_start3A_28 = tpu.memref_slice %arg3[%add3A, %multiple_of3A, %dma_start3A_27] : memref<32x80x128xi32, #tpu.memory_space<hbm>> -> memref<1x8x128xi32, #tpu.memory_space<hbm>>
        %dma_start3A_29 = tpu.memref_squeeze %dma_start3A_28 : memref<1x8x128xi32, #tpu.memory_space<hbm>> -> memref<8x128xi32, #tpu.memory_space<hbm>>
        tpu.enqueue_dma source(%dma_start3A_29 : memref<8x128xi32, #tpu.memory_space<hbm>>) target(%arg9 : memref<8x128xi32, #tpu.memory_space<vmem>>) target_semaphore(%run_scoped3A : memref<!tpu.dma_semaphore, #tpu.memory_space<semaphore_mem>>)
        %dma_wait3A = arith.constant 0 : i32
        %dma_wait3A_30 = tpu.memref_slice %arg3[%add3A, %multiple_of3A, %dma_wait3A] : memref<32x80x128xi32, #tpu.memory_space<hbm>> -> memref<1x8x128xi32, #tpu.memory_space<hbm>>
        %dma_wait3A_31 = tpu.memref_squeeze %dma_wait3A_30 : memref<1x8x128xi32, #tpu.memory_space<hbm>> -> memref<8x128xi32, #tpu.memory_space<hbm>>
        %dma_wait3A_32 = arith.constant 0 : i32
        %dma_wait3A_33 = tpu.memref_slice %arg3[%add3A, %multiple_of3A, %dma_wait3A_32] : memref<32x80x128xi32, #tpu.memory_space<hbm>> -> memref<1x8x128xi32, #tpu.memory_space<hbm>>
        %dma_wait3A_34 = tpu.memref_squeeze %dma_wait3A_33 : memref<1x8x128xi32, #tpu.memory_space<hbm>> -> memref<8x128xi32, #tpu.memory_space<hbm>>
        tpu.wait_dma2 semaphore(%run_scoped3A : memref<!tpu.dma_semaphore, #tpu.memory_space<semaphore_mem>>) src(%dma_wait3A_34 : memref<8x128xi32, #tpu.memory_space<hbm>>) dst(%arg9 : memref<8x128xi32, #tpu.memory_space<vmem>>)
        tpu.yield
      }) : () -> ()
      %scan3A_19 = arith.constant 0 : i32
      %scan3A_20 = arith.constant 0 : i32
      %scan3A_21 = arith.constant 8 : i32
      %scan3A_22 = arith.addi %scan3A_20, %scan3A_21 : i32
      %scan3A_23 = arith.constant 1 : i32
      scf.for %scan3A_25 = %scan3A_20 to %scan3A_22 step %scan3A_23  : i32 {
        "tpu.region"() ({
          %run_scoped3A = tpu.sem_alloc : memref<!tpu.dma_semaphore, #tpu.memory_space<semaphore_mem>>
          %dma_start3A = arith.constant 0 : i32
          %dma_start3A_26 = tpu.memref_slice %arg8[%scan3A_25, %dma_start3A] : memref<8x128xi32, #tpu.memory_space<vmem>> -> memref<1x128xi32, #tpu.memory_space<vmem>>
          %dma_start3A_27 = tpu.memref_squeeze %dma_start3A_26 : memref<1x128xi32, #tpu.memory_space<vmem>> -> memref<128xi32, #tpu.memory_space<vmem>>
          %dma_start3A_28 = arith.constant 0 : i32
          %dma_start3A_29 = arith.constant 0 : i32
          %dma_start3A_30 = tpu.memref_slice %arg4[%dma_start3A_28, %dma_start3A_29] : memref<10240x128xf32, #tpu.memory_space<hbm>> -> memref<10240x128xf32, #tpu.memory_space<hbm>>
          tpu.enqueue_indirect_dma source(%dma_start3A_30 : memref<10240x128xf32, #tpu.memory_space<hbm>>) target(%arg10 : memref<128x128xf32, #tpu.memory_space<vmem>>) offsets(%dma_start3A_27 : memref<128xi32, #tpu.memory_space<vmem>>) semaphore(%run_scoped3A : memref<!tpu.dma_semaphore, #tpu.memory_space<semaphore_mem>>)
          %dma_wait3A = arith.constant 0 : i32
          %dma_wait3A_31 = tpu.memref_slice %arg8[%scan3A_25, %dma_wait3A] : memref<8x128xi32, #tpu.memory_space<vmem>> -> memref<1x128xi32, #tpu.memory_space<vmem>>
          %dma_wait3A_32 = tpu.memref_squeeze %dma_wait3A_31 : memref<1x128xi32, #tpu.memory_space<vmem>> -> memref<128xi32, #tpu.memory_space<vmem>>
          %dma_wait3A_33 = arith.constant 0 : i32
          %dma_wait3A_34 = arith.constant 0 : i32
          %dma_wait3A_35 = tpu.memref_slice %arg4[%dma_wait3A_33, %dma_wait3A_34] : memref<10240x128xf32, #tpu.memory_space<hbm>> -> memref<10240x128xf32, #tpu.memory_space<hbm>>
          tpu.wait_indirect_dma semaphore(%run_scoped3A : memref<!tpu.dma_semaphore, #tpu.memory_space<semaphore_mem>>) src(%dma_wait3A_35 : memref<10240x128xf32, #tpu.memory_space<hbm>>) dst(%arg10 : memref<128x128xf32, #tpu.memory_space<vmem>>)
          tpu.yield
        }) : () -> ()
        "tpu.region"() ({
          %run_scoped3A = tpu.sem_alloc : memref<!tpu.dma_semaphore, #tpu.memory_space<semaphore_mem>>
          %dma_start3A = arith.constant 0 : i32
          %dma_start3A_26 = tpu.memref_slice %arg9[%scan3A_25, %dma_start3A] : memref<8x128xi32, #tpu.memory_space<vmem>> -> memref<1x128xi32, #tpu.memory_space<vmem>>
          %dma_start3A_27 = tpu.memref_squeeze %dma_start3A_26 : memref<1x128xi32, #tpu.memory_space<vmem>> -> memref<128xi32, #tpu.memory_space<vmem>>
          %dma_start3A_28 = arith.constant 0 : i32
          %dma_start3A_29 = arith.constant 0 : i32
          %dma_start3A_30 = tpu.memref_slice %arg7[%dma_start3A_28, %dma_start3A_29] : memref<10240x128xf32, #tpu.memory_space<vmem_shared>> -> memref<10240x128xf32, #tpu.memory_space<vmem_shared>>
          tpu.enqueue_indirect_dma source(%arg10 : memref<128x128xf32, #tpu.memory_space<vmem>>) target(%dma_start3A_30 : memref<10240x128xf32, #tpu.memory_space<vmem_shared>>) offsets(%dma_start3A_27 : memref<128xi32, #tpu.memory_space<vmem>>) semaphore(%run_scoped3A : memref<!tpu.dma_semaphore, #tpu.memory_space<semaphore_mem>>) {add = true}
          %dma_wait3A = arith.constant 0 : i32
          %dma_wait3A_31 = tpu.memref_slice %arg9[%scan3A_25, %dma_wait3A] : memref<8x128xi32, #tpu.memory_space<vmem>> -> memref<1x128xi32, #tpu.memory_space<vmem>>
          %dma_wait3A_32 = tpu.memref_squeeze %dma_wait3A_31 : memref<1x128xi32, #tpu.memory_space<vmem>> -> memref<128xi32, #tpu.memory_space<vmem>>
          %dma_wait3A_33 = arith.constant 0 : i32
          %dma_wait3A_34 = arith.constant 0 : i32
          %dma_wait3A_35 = tpu.memref_slice %arg7[%dma_wait3A_33, %dma_wait3A_34] : memref<10240x128xf32, #tpu.memory_space<vmem_shared>> -> memref<10240x128xf32, #tpu.memory_space<vmem_shared>>
          tpu.wait_indirect_dma semaphore(%run_scoped3A : memref<!tpu.dma_semaphore, #tpu.memory_space<semaphore_mem>>) src(%arg10 : memref<128x128xf32, #tpu.memory_space<vmem>>) dst(%dma_wait3A_35 : memref<10240x128xf32, #tpu.memory_space<vmem_shared>>)
          tpu.yield
        }) : () -> ()
      }
      %scan3A_24 = arith.constant 8 : i32
    }
    %scan3A_7 = arith.constant 10 : i32
    %barrier3A_8 = arith.constant 0 : index
    tpu.barrier barrier_id(%barrier3A_8)
    %mul3A_9 = arith.constant 640 : i32
    %mul3A_10 = arith.muli %arg1, %mul3A_9 : i32
    %mul3A_11 = arith.constant 10240 : i32
    %mul3A_12 = arith.muli %arg0, %mul3A_11 : i32
    %mul3A_13 = arith.constant 640 : i32
    %mul3A_14 = arith.muli %arg1, %mul3A_13 : i32
    %add3A_15 = arith.addi %mul3A_12, %mul3A_14 : i32
    "tpu.region"() ({
      %run_scoped3A = tpu.sem_alloc : memref<!tpu.dma_semaphore, #tpu.memory_space<semaphore_mem>>
      %dma_start3A = arith.constant 0 : i32
      %dma_start3A_16 = tpu.memref_slice %arg6[%add3A_15, %dma_start3A] : memref<20480x128xf32, #tpu.memory_space<hbm>> -> memref<640x128xf32, #tpu.memory_space<hbm>>
      %dma_start3A_17 = arith.constant 0 : i32
      %dma_start3A_18 = tpu.memref_slice %arg7[%mul3A_10, %dma_start3A_17] : memref<10240x128xf32, #tpu.memory_space<vmem_shared>> -> memref<640x128xf32, #tpu.memory_space<vmem_shared>>
      tpu.enqueue_dma source(%dma_start3A_18 : memref<640x128xf32, #tpu.memory_space<vmem_shared>>) target(%dma_start3A_16 : memref<640x128xf32, #tpu.memory_space<hbm>>) target_semaphore(%run_scoped3A : memref<!tpu.dma_semaphore, #tpu.memory_space<semaphore_mem>>)
      %dma_wait3A = arith.constant 0 : i32
      %dma_wait3A_19 = tpu.memref_slice %arg6[%add3A_15, %dma_wait3A] : memref<20480x128xf32, #tpu.memory_space<hbm>> -> memref<640x128xf32, #tpu.memory_space<hbm>>
      %dma_wait3A_20 = arith.constant 0 : i32
      %dma_wait3A_21 = tpu.memref_slice %arg7[%mul3A_10, %dma_wait3A_20] : memref<10240x128xf32, #tpu.memory_space<vmem_shared>> -> memref<640x128xf32, #tpu.memory_space<vmem_shared>>
      tpu.wait_dma2 semaphore(%run_scoped3A : memref<!tpu.dma_semaphore, #tpu.memory_space<semaphore_mem>>) src(%dma_wait3A_21 : memref<640x128xf32, #tpu.memory_space<vmem_shared>>) dst(%dma_wait3A_19 : memref<640x128xf32, #tpu.memory_space<hbm>>)
      tpu.yield
    }) : () -> ()
    return
  }
}

#map = affine_map<(d0, d1) -> (0, 0, 0)>
#map1 = affine_map<(d0, d1) -> (0, 0)>
module attributes {stable_mosaic.version = 14 : i64} {
  func.func @body(%arg0: i32, %arg1: i32, %arg2: memref<32x80x128xi32, #tpu.memory_space<hbm>>, %arg3: memref<128x128xf32, #tpu.memory_space<hbm>>, %arg4: memref<640x128xf32, #tpu.memory_space<hbm>>, %arg5: memref<20480x128xf32, #tpu.memory_space<hbm>>, %arg6: memref<10240x128xf32, #tpu.memory_space<vmem_shared>>, %arg7: memref<8x128xi32, #tpu.memory_space<vmem>>, %arg8: memref<128x128xf32, #tpu.memory_space<vmem>>) attributes {dimension_semantics = [#tpu.dimension_semantics<core_parallel>, #tpu.dimension_semantics<subcore_parallel>], iteration_bounds = array<i64: 2, 16>, scalar_prefetch = 0 : i64, scratch_operands = 3 : i64, tpu.core_type = #tpu.core_type<sc_vector_subcore>, window_params = [{transform_indices = #map}, {transform_indices = #map1}, {transform_indices = #map1}, {transform_indices = #map1}]} {
    %mul3A = arith.constant 16 : i32
    %mul3A_0 = arith.muli %arg0, %mul3A : i32
    %add3A = arith.addi %mul3A_0, %arg1 : i32
    %mul3A_1 = arith.constant 640 : i32
    %mul3A_2 = arith.muli %arg1, %mul3A_1 : i32
    "tpu.region"() ({
      %run_scoped3A = tpu.sem_alloc : memref<!tpu.dma_semaphore, #tpu.memory_space<semaphore_mem>>
      %dma_start3A = arith.constant 0 : i32
      %dma_start3A_16 = tpu.memref_slice %arg6[%mul3A_2, %dma_start3A] : memref<10240x128xf32, #tpu.memory_space<vmem_shared>> -> memref<640x128xf32, #tpu.memory_space<vmem_shared>>
      tpu.enqueue_dma source(%arg4 : memref<640x128xf32, #tpu.memory_space<hbm>>) target(%dma_start3A_16 : memref<640x128xf32, #tpu.memory_space<vmem_shared>>) target_semaphore(%run_scoped3A : memref<!tpu.dma_semaphore, #tpu.memory_space<semaphore_mem>>)
      %dma_wait3A = arith.constant 0 : i32
      %dma_wait3A_17 = tpu.memref_slice %arg6[%mul3A_2, %dma_wait3A] : memref<10240x128xf32, #tpu.memory_space<vmem_shared>> -> memref<640x128xf32, #tpu.memory_space<vmem_shared>>
      tpu.wait_dma2 semaphore(%run_scoped3A : memref<!tpu.dma_semaphore, #tpu.memory_space<semaphore_mem>>) src(%arg4 : memref<640x128xf32, #tpu.memory_space<hbm>>) dst(%dma_wait3A_17 : memref<640x128xf32, #tpu.memory_space<vmem_shared>>)
      tpu.yield
    }) : () -> ()
    "tpu.region"() ({
      %run_scoped3A = tpu.sem_alloc : memref<!tpu.dma_semaphore, #tpu.memory_space<semaphore_mem>>
      tpu.enqueue_dma source(%arg3 : memref<128x128xf32, #tpu.memory_space<hbm>>) target(%arg8 : memref<128x128xf32, #tpu.memory_space<vmem>>) target_semaphore(%run_scoped3A : memref<!tpu.dma_semaphore, #tpu.memory_space<semaphore_mem>>)
      tpu.wait_dma2 semaphore(%run_scoped3A : memref<!tpu.dma_semaphore, #tpu.memory_space<semaphore_mem>>) src(%arg3 : memref<128x128xf32, #tpu.memory_space<hbm>>) dst(%arg8 : memref<128x128xf32, #tpu.memory_space<vmem>>)
      tpu.yield
    }) : () -> ()
    %barrier3A = arith.constant 0 : index
    tpu.barrier barrier_id(%barrier3A)
    %scan3A = arith.constant 0 : i32
    %scan3A_3 = arith.constant 0 : i32
    %scan3A_4 = arith.constant 10 : i32
    %scan3A_5 = arith.addi %scan3A_3, %scan3A_4 : i32
    %scan3A_6 = arith.constant 1 : i32
    scf.for %scan3A_16 = %scan3A_3 to %scan3A_5 step %scan3A_6  : i32 {
      %mul3A_17 = arith.constant 8 : i32
      %mul3A_18 = arith.muli %scan3A_16, %mul3A_17 : i32
      %multiple_of3A = tpu.assume_multiple %mul3A_18, 8 : i32
      "tpu.region"() ({
        %run_scoped3A = tpu.sem_alloc : memref<!tpu.dma_semaphore, #tpu.memory_space<semaphore_mem>>
        %dma_start3A = arith.constant 0 : i32
        %dma_start3A_25 = tpu.memref_slice %arg2[%add3A, %multiple_of3A, %dma_start3A] : memref<32x80x128xi32, #tpu.memory_space<hbm>> -> memref<1x8x128xi32, #tpu.memory_space<hbm>>
        %dma_start3A_26 = tpu.memref_squeeze %dma_start3A_25 : memref<1x8x128xi32, #tpu.memory_space<hbm>> -> memref<8x128xi32, #tpu.memory_space<hbm>>
        %dma_start3A_27 = arith.constant 0 : i32
        %dma_start3A_28 = tpu.memref_slice %arg2[%add3A, %multiple_of3A, %dma_start3A_27] : memref<32x80x128xi32, #tpu.memory_space<hbm>> -> memref<1x8x128xi32, #tpu.memory_space<hbm>>
        %dma_start3A_29 = tpu.memref_squeeze %dma_start3A_28 : memref<1x8x128xi32, #tpu.memory_space<hbm>> -> memref<8x128xi32, #tpu.memory_space<hbm>>
        tpu.enqueue_dma source(%dma_start3A_29 : memref<8x128xi32, #tpu.memory_space<hbm>>) target(%arg7 : memref<8x128xi32, #tpu.memory_space<vmem>>) target_semaphore(%run_scoped3A : memref<!tpu.dma_semaphore, #tpu.memory_space<semaphore_mem>>)
        %dma_wait3A = arith.constant 0 : i32
        %dma_wait3A_30 = tpu.memref_slice %arg2[%add3A, %multiple_of3A, %dma_wait3A] : memref<32x80x128xi32, #tpu.memory_space<hbm>> -> memref<1x8x128xi32, #tpu.memory_space<hbm>>
        %dma_wait3A_31 = tpu.memref_squeeze %dma_wait3A_30 : memref<1x8x128xi32, #tpu.memory_space<hbm>> -> memref<8x128xi32, #tpu.memory_space<hbm>>
        %dma_wait3A_32 = arith.constant 0 : i32
        %dma_wait3A_33 = tpu.memref_slice %arg2[%add3A, %multiple_of3A, %dma_wait3A_32] : memref<32x80x128xi32, #tpu.memory_space<hbm>> -> memref<1x8x128xi32, #tpu.memory_space<hbm>>
        %dma_wait3A_34 = tpu.memref_squeeze %dma_wait3A_33 : memref<1x8x128xi32, #tpu.memory_space<hbm>> -> memref<8x128xi32, #tpu.memory_space<hbm>>
        tpu.wait_dma2 semaphore(%run_scoped3A : memref<!tpu.dma_semaphore, #tpu.memory_space<semaphore_mem>>) src(%dma_wait3A_34 : memref<8x128xi32, #tpu.memory_space<hbm>>) dst(%arg7 : memref<8x128xi32, #tpu.memory_space<vmem>>)
        tpu.yield
      }) : () -> ()
      %scan3A_19 = arith.constant 0 : i32
      %scan3A_20 = arith.constant 0 : i32
      %scan3A_21 = arith.constant 8 : i32
      %scan3A_22 = arith.addi %scan3A_20, %scan3A_21 : i32
      %scan3A_23 = arith.constant 1 : i32
      scf.for %scan3A_25 = %scan3A_20 to %scan3A_22 step %scan3A_23  : i32 {
        "tpu.region"() ({
          %run_scoped3A = tpu.sem_alloc : memref<!tpu.dma_semaphore, #tpu.memory_space<semaphore_mem>>
          %dma_start3A = arith.constant 0 : i32
          %dma_start3A_26 = tpu.memref_slice %arg7[%scan3A_25, %dma_start3A] : memref<8x128xi32, #tpu.memory_space<vmem>> -> memref<1x128xi32, #tpu.memory_space<vmem>>
          %dma_start3A_27 = tpu.memref_squeeze %dma_start3A_26 : memref<1x128xi32, #tpu.memory_space<vmem>> -> memref<128xi32, #tpu.memory_space<vmem>>
          %dma_start3A_28 = arith.constant 0 : i32
          %dma_start3A_29 = arith.constant 0 : i32
          %dma_start3A_30 = tpu.memref_slice %arg6[%dma_start3A_28, %dma_start3A_29] : memref<10240x128xf32, #tpu.memory_space<vmem_shared>> -> memref<10240x128xf32, #tpu.memory_space<vmem_shared>>
          tpu.enqueue_indirect_dma source(%arg8 : memref<128x128xf32, #tpu.memory_space<vmem>>) target(%dma_start3A_30 : memref<10240x128xf32, #tpu.memory_space<vmem_shared>>) offsets(%dma_start3A_27 : memref<128xi32, #tpu.memory_space<vmem>>) semaphore(%run_scoped3A : memref<!tpu.dma_semaphore, #tpu.memory_space<semaphore_mem>>) {add = true}
          %dma_wait3A = arith.constant 0 : i32
          %dma_wait3A_31 = tpu.memref_slice %arg7[%scan3A_25, %dma_wait3A] : memref<8x128xi32, #tpu.memory_space<vmem>> -> memref<1x128xi32, #tpu.memory_space<vmem>>
          %dma_wait3A_32 = tpu.memref_squeeze %dma_wait3A_31 : memref<1x128xi32, #tpu.memory_space<vmem>> -> memref<128xi32, #tpu.memory_space<vmem>>
          %dma_wait3A_33 = arith.constant 0 : i32
          %dma_wait3A_34 = arith.constant 0 : i32
          %dma_wait3A_35 = tpu.memref_slice %arg6[%dma_wait3A_33, %dma_wait3A_34] : memref<10240x128xf32, #tpu.memory_space<vmem_shared>> -> memref<10240x128xf32, #tpu.memory_space<vmem_shared>>
          tpu.wait_indirect_dma semaphore(%run_scoped3A : memref<!tpu.dma_semaphore, #tpu.memory_space<semaphore_mem>>) src(%arg8 : memref<128x128xf32, #tpu.memory_space<vmem>>) dst(%dma_wait3A_35 : memref<10240x128xf32, #tpu.memory_space<vmem_shared>>)
          tpu.yield
        }) : () -> ()
      }
      %scan3A_24 = arith.constant 8 : i32
    }
    %scan3A_7 = arith.constant 10 : i32
    %barrier3A_8 = arith.constant 0 : index
    tpu.barrier barrier_id(%barrier3A_8)
    %mul3A_9 = arith.constant 640 : i32
    %mul3A_10 = arith.muli %arg1, %mul3A_9 : i32
    %mul3A_11 = arith.constant 10240 : i32
    %mul3A_12 = arith.muli %arg0, %mul3A_11 : i32
    %mul3A_13 = arith.constant 640 : i32
    %mul3A_14 = arith.muli %arg1, %mul3A_13 : i32
    %add3A_15 = arith.addi %mul3A_12, %mul3A_14 : i32
    "tpu.region"() ({
      %run_scoped3A = tpu.sem_alloc : memref<!tpu.dma_semaphore, #tpu.memory_space<semaphore_mem>>
      %dma_start3A = arith.constant 0 : i32
      %dma_start3A_16 = tpu.memref_slice %arg5[%add3A_15, %dma_start3A] : memref<20480x128xf32, #tpu.memory_space<hbm>> -> memref<640x128xf32, #tpu.memory_space<hbm>>
      %dma_start3A_17 = arith.constant 0 : i32
      %dma_start3A_18 = tpu.memref_slice %arg6[%mul3A_10, %dma_start3A_17] : memref<10240x128xf32, #tpu.memory_space<vmem_shared>> -> memref<640x128xf32, #tpu.memory_space<vmem_shared>>
      tpu.enqueue_dma source(%dma_start3A_18 : memref<640x128xf32, #tpu.memory_space<vmem_shared>>) target(%dma_start3A_16 : memref<640x128xf32, #tpu.memory_space<hbm>>) target_semaphore(%run_scoped3A : memref<!tpu.dma_semaphore, #tpu.memory_space<semaphore_mem>>)
      %dma_wait3A = arith.constant 0 : i32
      %dma_wait3A_19 = tpu.memref_slice %arg5[%add3A_15, %dma_wait3A] : memref<20480x128xf32, #tpu.memory_space<hbm>> -> memref<640x128xf32, #tpu.memory_space<hbm>>
      %dma_wait3A_20 = arith.constant 0 : i32
      %dma_wait3A_21 = tpu.memref_slice %arg6[%mul3A_10, %dma_wait3A_20] : memref<10240x128xf32, #tpu.memory_space<vmem_shared>> -> memref<640x128xf32, #tpu.memory_space<vmem_shared>>
      tpu.wait_dma2 semaphore(%run_scoped3A : memref<!tpu.dma_semaphore, #tpu.memory_space<semaphore_mem>>) src(%dma_wait3A_21 : memref<640x128xf32, #tpu.memory_space<vmem_shared>>) dst(%dma_wait3A_19 : memref<640x128xf32, #tpu.memory_space<hbm>>)
      tpu.yield
    }) : () -> ()
    return
  }
}

#map = affine_map<(d0, d1) -> (0, 0, 0)>
#map1 = affine_map<(d0, d1) -> (0, 0)>
module attributes {stable_mosaic.version = 14 : i64} {
  func.func @body(%arg0: i32, %arg1: i32, %arg2: memref<32x80x128xi32, #tpu.memory_space<hbm>>, %arg3: memref<32x80x128xi32, #tpu.memory_space<hbm>>, %arg4: memref<10240x128xf32, #tpu.memory_space<hbm>>, %arg5: memref<640x128xf32, #tpu.memory_space<hbm>>, %arg6: memref<20480x128xf32, #tpu.memory_space<hbm>>, %arg7: memref<10240x128xf32, #tpu.memory_space<vmem_shared>>, %arg8: memref<8x128xi32, #tpu.memory_space<vmem>>, %arg9: memref<8x128xi32, #tpu.memory_space<vmem>>, %arg10: memref<128x128xf32, #tpu.memory_space<vmem>>) attributes {dimension_semantics = [#tpu.dimension_semantics<core_parallel>, #tpu.dimension_semantics<subcore_parallel>], iteration_bounds = array<i64: 2, 16>, scalar_prefetch = 0 : i64, scratch_operands = 4 : i64, tpu.core_type = #tpu.core_type<sc_vector_subcore>, window_params = [{transform_indices = #map}, {transform_indices = #map}, {transform_indices = #map1}, {transform_indices = #map1}, {transform_indices = #map1}]} {
    %mul3A = arith.constant 16 : i32
    %mul3A_0 = arith.muli %arg0, %mul3A : i32
    %add3A = arith.addi %mul3A_0, %arg1 : i32
    %mul3A_1 = arith.constant 640 : i32
    %mul3A_2 = arith.muli %arg1, %mul3A_1 : i32
    "tpu.region"() ({
      %run_scoped3A = tpu.sem_alloc : memref<!tpu.dma_semaphore, #tpu.memory_space<semaphore_mem>>
      %dma_start3A = arith.constant 0 : i32
      %dma_start3A_16 = tpu.memref_slice %arg7[%mul3A_2, %dma_start3A] : memref<10240x128xf32, #tpu.memory_space<vmem_shared>> -> memref<640x128xf32, #tpu.memory_space<vmem_shared>>
      tpu.enqueue_dma source(%arg5 : memref<640x128xf32, #tpu.memory_space<hbm>>) target(%dma_start3A_16 : memref<640x128xf32, #tpu.memory_space<vmem_shared>>) target_semaphore(%run_scoped3A : memref<!tpu.dma_semaphore, #tpu.memory_space<semaphore_mem>>)
      %dma_wait3A = arith.constant 0 : i32
      %dma_wait3A_17 = tpu.memref_slice %arg7[%mul3A_2, %dma_wait3A] : memref<10240x128xf32, #tpu.memory_space<vmem_shared>> -> memref<640x128xf32, #tpu.memory_space<vmem_shared>>
      tpu.wait_dma2 semaphore(%run_scoped3A : memref<!tpu.dma_semaphore, #tpu.memory_space<semaphore_mem>>) src(%arg5 : memref<640x128xf32, #tpu.memory_space<hbm>>) dst(%dma_wait3A_17 : memref<640x128xf32, #tpu.memory_space<vmem_shared>>)
      tpu.yield
    }) : () -> ()
    %barrier3A = arith.constant 0 : index
    tpu.barrier barrier_id(%barrier3A)
    %scan3A = arith.constant 0 : i32
    %scan3A_3 = arith.constant 0 : i32
    %scan3A_4 = arith.constant 10 : i32
    %scan3A_5 = arith.addi %scan3A_3, %scan3A_4 : i32
    %scan3A_6 = arith.constant 1 : i32
    scf.for %scan3A_16 = %scan3A_3 to %scan3A_5 step %scan3A_6  : i32 {
      %mul3A_17 = arith.constant 8 : i32
      %mul3A_18 = arith.muli %scan3A_16, %mul3A_17 : i32
      %multiple_of3A = tpu.assume_multiple %mul3A_18, 8 : i32
      "tpu.region"() ({
        %run_scoped3A = tpu.sem_alloc : memref<!tpu.dma_semaphore, #tpu.memory_space<semaphore_mem>>
        %dma_start3A = arith.constant 0 : i32
        %dma_start3A_25 = tpu.memref_slice %arg2[%add3A, %multiple_of3A, %dma_start3A] : memref<32x80x128xi32, #tpu.memory_space<hbm>> -> memref<1x8x128xi32, #tpu.memory_space<hbm>>
        %dma_start3A_26 = tpu.memref_squeeze %dma_start3A_25 : memref<1x8x128xi32, #tpu.memory_space<hbm>> -> memref<8x128xi32, #tpu.memory_space<hbm>>
        %dma_start3A_27 = arith.constant 0 : i32
        %dma_start3A_28 = tpu.memref_slice %arg2[%add3A, %multiple_of3A, %dma_start3A_27] : memref<32x80x128xi32, #tpu.memory_space<hbm>> -> memref<1x8x128xi32, #tpu.memory_space<hbm>>
        %dma_start3A_29 = tpu.memref_squeeze %dma_start3A_28 : memref<1x8x128xi32, #tpu.memory_space<hbm>> -> memref<8x128xi32, #tpu.memory_space<hbm>>
        tpu.enqueue_dma source(%dma_start3A_29 : memref<8x128xi32, #tpu.memory_space<hbm>>) target(%arg8 : memref<8x128xi32, #tpu.memory_space<vmem>>) target_semaphore(%run_scoped3A : memref<!tpu.dma_semaphore, #tpu.memory_space<semaphore_mem>>)
        %dma_wait3A = arith.constant 0 : i32
        %dma_wait3A_30 = tpu.memref_slice %arg2[%add3A, %multiple_of3A, %dma_wait3A] : memref<32x80x128xi32, #tpu.memory_space<hbm>> -> memref<1x8x128xi32, #tpu.memory_space<hbm>>
        %dma_wait3A_31 = tpu.memref_squeeze %dma_wait3A_30 : memref<1x8x128xi32, #tpu.memory_space<hbm>> -> memref<8x128xi32, #tpu.memory_space<hbm>>
        %dma_wait3A_32 = arith.constant 0 : i32
        %dma_wait3A_33 = tpu.memref_slice %arg2[%add3A, %multiple_of3A, %dma_wait3A_32] : memref<32x80x128xi32, #tpu.memory_space<hbm>> -> memref<1x8x128xi32, #tpu.memory_space<hbm>>
        %dma_wait3A_34 = tpu.memref_squeeze %dma_wait3A_33 : memref<1x8x128xi32, #tpu.memory_space<hbm>> -> memref<8x128xi32, #tpu.memory_space<hbm>>
        tpu.wait_dma2 semaphore(%run_scoped3A : memref<!tpu.dma_semaphore, #tpu.memory_space<semaphore_mem>>) src(%dma_wait3A_34 : memref<8x128xi32, #tpu.memory_space<hbm>>) dst(%arg8 : memref<8x128xi32, #tpu.memory_space<vmem>>)
        tpu.yield
      }) : () -> ()
      "tpu.region"() ({
        %run_scoped3A = tpu.sem_alloc : memref<!tpu.dma_semaphore, #tpu.memory_space<semaphore_mem>>
        %dma_start3A = arith.constant 0 : i32
        %dma_start3A_25 = tpu.memref_slice %arg3[%add3A, %multiple_of3A, %dma_start3A] : memref<32x80x128xi32, #tpu.memory_space<hbm>> -> memref<1x8x128xi32, #tpu.memory_space<hbm>>
        %dma_start3A_26 = tpu.memref_squeeze %dma_start3A_25 : memref<1x8x128xi32, #tpu.memory_space<hbm>> -> memref<8x128xi32, #tpu.memory_space<hbm>>
        %dma_start3A_27 = arith.constant 0 : i32
        %dma_start3A_28 = tpu.memref_slice %arg3[%add3A, %multiple_of3A, %dma_start3A_27] : memref<32x80x128xi32, #tpu.memory_space<hbm>> -> memref<1x8x128xi32, #tpu.memory_space<hbm>>
        %dma_start3A_29 = tpu.memref_squeeze %dma_start3A_28 : memref<1x8x128xi32, #tpu.memory_space<hbm>> -> memref<8x128xi32, #tpu.memory_space<hbm>>
        tpu.enqueue_dma source(%dma_start3A_29 : memref<8x128xi32, #tpu.memory_space<hbm>>) target(%arg9 : memref<8x128xi32, #tpu.memory_space<vmem>>) target_semaphore(%run_scoped3A : memref<!tpu.dma_semaphore, #tpu.memory_space<semaphore_mem>>)
        %dma_wait3A = arith.constant 0 : i32
        %dma_wait3A_30 = tpu.memref_slice %arg3[%add3A, %multiple_of3A, %dma_wait3A] : memref<32x80x128xi32, #tpu.memory_space<hbm>> -> memref<1x8x128xi32, #tpu.memory_space<hbm>>
        %dma_wait3A_31 = tpu.memref_squeeze %dma_wait3A_30 : memref<1x8x128xi32, #tpu.memory_space<hbm>> -> memref<8x128xi32, #tpu.memory_space<hbm>>
        %dma_wait3A_32 = arith.constant 0 : i32
        %dma_wait3A_33 = tpu.memref_slice %arg3[%add3A, %multiple_of3A, %dma_wait3A_32] : memref<32x80x128xi32, #tpu.memory_space<hbm>> -> memref<1x8x128xi32, #tpu.memory_space<hbm>>
        %dma_wait3A_34 = tpu.memref_squeeze %dma_wait3A_33 : memref<1x8x128xi32, #tpu.memory_space<hbm>> -> memref<8x128xi32, #tpu.memory_space<hbm>>
        tpu.wait_dma2 semaphore(%run_scoped3A : memref<!tpu.dma_semaphore, #tpu.memory_space<semaphore_mem>>) src(%dma_wait3A_34 : memref<8x128xi32, #tpu.memory_space<hbm>>) dst(%arg9 : memref<8x128xi32, #tpu.memory_space<vmem>>)
        tpu.yield
      }) : () -> ()
      %scan3A_19 = arith.constant 0 : i32
      %scan3A_20 = arith.constant 0 : i32
      %scan3A_21 = arith.constant 8 : i32
      %scan3A_22 = arith.addi %scan3A_20, %scan3A_21 : i32
      %scan3A_23 = arith.constant 1 : i32
      scf.for %scan3A_25 = %scan3A_20 to %scan3A_22 step %scan3A_23  : i32 {
        "tpu.region"() ({
          %run_scoped3A = tpu.sem_alloc : memref<!tpu.dma_semaphore, #tpu.memory_space<semaphore_mem>>
          %dma_start3A = arith.constant 0 : i32
          %dma_start3A_26 = tpu.memref_slice %arg8[%scan3A_25, %dma_start3A] : memref<8x128xi32, #tpu.memory_space<vmem>> -> memref<1x128xi32, #tpu.memory_space<vmem>>
          %dma_start3A_27 = tpu.memref_squeeze %dma_start3A_26 : memref<1x128xi32, #tpu.memory_space<vmem>> -> memref<128xi32, #tpu.memory_space<vmem>>
          %dma_start3A_28 = arith.constant 0 : i32
          %dma_start3A_29 = arith.constant 0 : i32
          %dma_start3A_30 = tpu.memref_slice %arg4[%dma_start3A_28, %dma_start3A_29] : memref<10240x128xf32, #tpu.memory_space<hbm>> -> memref<10240x128xf32, #tpu.memory_space<hbm>>
          tpu.enqueue_indirect_dma source(%dma_start3A_30 : memref<10240x128xf32, #tpu.memory_space<hbm>>) target(%arg10 : memref<128x128xf32, #tpu.memory_space<vmem>>) offsets(%dma_start3A_27 : memref<128xi32, #tpu.memory_space<vmem>>) semaphore(%run_scoped3A : memref<!tpu.dma_semaphore, #tpu.memory_space<semaphore_mem>>)
          %dma_wait3A = arith.constant 0 : i32
          %dma_wait3A_31 = tpu.memref_slice %arg8[%scan3A_25, %dma_wait3A] : memref<8x128xi32, #tpu.memory_space<vmem>> -> memref<1x128xi32, #tpu.memory_space<vmem>>
          %dma_wait3A_32 = tpu.memref_squeeze %dma_wait3A_31 : memref<1x128xi32, #tpu.memory_space<vmem>> -> memref<128xi32, #tpu.memory_space<vmem>>
          %dma_wait3A_33 = arith.constant 0 : i32
          %dma_wait3A_34 = arith.constant 0 : i32
          %dma_wait3A_35 = tpu.memref_slice %arg4[%dma_wait3A_33, %dma_wait3A_34] : memref<10240x128xf32, #tpu.memory_space<hbm>> -> memref<10240x128xf32, #tpu.memory_space<hbm>>
          tpu.wait_indirect_dma semaphore(%run_scoped3A : memref<!tpu.dma_semaphore, #tpu.memory_space<semaphore_mem>>) src(%dma_wait3A_35 : memref<10240x128xf32, #tpu.memory_space<hbm>>) dst(%arg10 : memref<128x128xf32, #tpu.memory_space<vmem>>)
          tpu.yield
        }) : () -> ()
        "tpu.region"() ({
          %run_scoped3A = tpu.sem_alloc : memref<!tpu.dma_semaphore, #tpu.memory_space<semaphore_mem>>
          %dma_start3A = arith.constant 0 : i32
          %dma_start3A_26 = tpu.memref_slice %arg9[%scan3A_25, %dma_start3A] : memref<8x128xi32, #tpu.memory_space<vmem>> -> memref<1x128xi32, #tpu.memory_space<vmem>>
          %dma_start3A_27 = tpu.memref_squeeze %dma_start3A_26 : memref<1x128xi32, #tpu.memory_space<vmem>> -> memref<128xi32, #tpu.memory_space<vmem>>
          %dma_start3A_28 = arith.constant 0 : i32
          %dma_start3A_29 = arith.constant 0 : i32
          %dma_start3A_30 = tpu.memref_slice %arg7[%dma_start3A_28, %dma_start3A_29] : memref<10240x128xf32, #tpu.memory_space<vmem_shared>> -> memref<10240x128xf32, #tpu.memory_space<vmem_shared>>
          tpu.enqueue_indirect_dma source(%arg10 : memref<128x128xf32, #tpu.memory_space<vmem>>) target(%dma_start3A_30 : memref<10240x128xf32, #tpu.memory_space<vmem_shared>>) offsets(%dma_start3A_27 : memref<128xi32, #tpu.memory_space<vmem>>) semaphore(%run_scoped3A : memref<!tpu.dma_semaphore, #tpu.memory_space<semaphore_mem>>) {add = true}
          %dma_wait3A = arith.constant 0 : i32
          %dma_wait3A_31 = tpu.memref_slice %arg9[%scan3A_25, %dma_wait3A] : memref<8x128xi32, #tpu.memory_space<vmem>> -> memref<1x128xi32, #tpu.memory_space<vmem>>
          %dma_wait3A_32 = tpu.memref_squeeze %dma_wait3A_31 : memref<1x128xi32, #tpu.memory_space<vmem>> -> memref<128xi32, #tpu.memory_space<vmem>>
          %dma_wait3A_33 = arith.constant 0 : i32
          %dma_wait3A_34 = arith.constant 0 : i32
          %dma_wait3A_35 = tpu.memref_slice %arg7[%dma_wait3A_33, %dma_wait3A_34] : memref<10240x128xf32, #tpu.memory_space<vmem_shared>> -> memref<10240x128xf32, #tpu.memory_space<vmem_shared>>
          tpu.wait_indirect_dma semaphore(%run_scoped3A : memref<!tpu.dma_semaphore, #tpu.memory_space<semaphore_mem>>) src(%arg10 : memref<128x128xf32, #tpu.memory_space<vmem>>) dst(%dma_wait3A_35 : memref<10240x128xf32, #tpu.memory_space<vmem_shared>>)
          tpu.yield
        }) : () -> ()
      }
      %scan3A_24 = arith.constant 8 : i32
    }
    %scan3A_7 = arith.constant 10 : i32
    %barrier3A_8 = arith.constant 0 : index
    tpu.barrier barrier_id(%barrier3A_8)
    %mul3A_9 = arith.constant 640 : i32
    %mul3A_10 = arith.muli %arg1, %mul3A_9 : i32
    %mul3A_11 = arith.constant 10240 : i32
    %mul3A_12 = arith.muli %arg0, %mul3A_11 : i32
    %mul3A_13 = arith.constant 640 : i32
    %mul3A_14 = arith.muli %arg1, %mul3A_13 : i32
    %add3A_15 = arith.addi %mul3A_12, %mul3A_14 : i32
    "tpu.region"() ({
      %run_scoped3A = tpu.sem_alloc : memref<!tpu.dma_semaphore, #tpu.memory_space<semaphore_mem>>
      %dma_start3A = arith.constant 0 : i32
      %dma_start3A_16 = tpu.memref_slice %arg6[%add3A_15, %dma_start3A] : memref<20480x128xf32, #tpu.memory_space<hbm>> -> memref<640x128xf32, #tpu.memory_space<hbm>>
      %dma_start3A_17 = arith.constant 0 : i32
      %dma_start3A_18 = tpu.memref_slice %arg7[%mul3A_10, %dma_start3A_17] : memref<10240x128xf32, #tpu.memory_space<vmem_shared>> -> memref<640x128xf32, #tpu.memory_space<vmem_shared>>
      tpu.enqueue_dma source(%dma_start3A_18 : memref<640x128xf32, #tpu.memory_space<vmem_shared>>) target(%dma_start3A_16 : memref<640x128xf32, #tpu.memory_space<hbm>>) target_semaphore(%run_scoped3A : memref<!tpu.dma_semaphore, #tpu.memory_space<semaphore_mem>>)
      %dma_wait3A = arith.constant 0 : i32
      %dma_wait3A_19 = tpu.memref_slice %arg6[%add3A_15, %dma_wait3A] : memref<20480x128xf32, #tpu.memory_space<hbm>> -> memref<640x128xf32, #tpu.memory_space<hbm>>
      %dma_wait3A_20 = arith.constant 0 : i32
      %dma_wait3A_21 = tpu.memref_slice %arg7[%mul3A_10, %dma_wait3A_20] : memref<10240x128xf32, #tpu.memory_space<vmem_shared>> -> memref<640x128xf32, #tpu.memory_space<vmem_shared>>
      tpu.wait_dma2 semaphore(%run_scoped3A : memref<!tpu.dma_semaphore, #tpu.memory_space<semaphore_mem>>) src(%dma_wait3A_21 : memref<640x128xf32, #tpu.memory_space<vmem_shared>>) dst(%dma_wait3A_19 : memref<640x128xf32, #tpu.memory_space<hbm>>)
      tpu.yield
    }) : () -> ()
    return
  }
}

module attributes {stable_mosaic.version = 14 : i64} {
  func.func @_mm_body(%arg0: i32, %arg1: memref<1024x128xf32, #tpu.memory_space<vmem>>, %arg2: memref<128x128xf32, #tpu.memory_space<vmem>>, %arg3: memref<1024x128xf32, #tpu.memory_space<vmem>>) attributes {dimension_semantics = [#tpu.dimension_semantics<arbitrary>], iteration_bounds = array<i64: 10>, scalar_prefetch = 0 : i64, scratch_operands = 0 : i64, tpu.core_type = #tpu.core_type<tc>, window_params = [{transform_indices = @transform_0, window_bounds = array<i64: 1024, 128>}, {pipeline_mode = #tpu.pipeline_mode<synchronous>, transform_indices = @transform_1, window_bounds = array<i64: 128, 128>}, {transform_indices = @transform_2, window_bounds = array<i64: 1024, 128>}]} {
    %get3A = arith.constant 0 : index
    %get3A_0 = arith.constant 0 : index
    %get3A_1 = vector.load %arg1[%get3A, %get3A_0] : memref<1024x128xf32, #tpu.memory_space<vmem>>, vector<1024x128xf32>
    %get3A_2 = arith.constant 0 : index
    %get3A_3 = arith.constant 0 : index
    %get3A_4 = vector.load %arg2[%get3A_2, %get3A_3] : memref<128x128xf32, #tpu.memory_space<vmem>>, vector<128x128xf32>
    %dot_general3A = arith.constant dense<0.000000e+00> : vector<1024x128xf32>
    %dot_general3A_5 = tpu.matmul %get3A_1, %get3A_4, %dot_general3A {dimension_numbers = #tpu.dot_dimension_numbers<[1], [0], [0], [1], [0, 0, 1, 1], [], []>, precision = #tpu.contract_precision<fp32>, transpose_lhs_hint = false} : vector<1024x128xf32>, vector<128x128xf32>, vector<1024x128xf32> -> vector<1024x128xf32>
    %swap3A = arith.constant 0 : index
    %swap3A_6 = arith.constant 0 : index
    %swap3A_7 = vector.load %arg3[%swap3A, %swap3A_6] : memref<1024x128xf32, #tpu.memory_space<vmem>>, vector<1024x128xf32>
    tpu.vector_store %arg3[%swap3A, %swap3A_6], %dot_general3A_5 {strides = array<i32>} : memref<1024x128xf32, #tpu.memory_space<vmem>>, vector<1024x128xf32>,
    return
  }
  func.func @transform_0(%arg0: i32) -> (i32, i32) {
    %c0_i32 = arith.constant 0 : i32
    %c0_i32_0 = arith.constant 0 : i32
    return %arg0, %c0_i32 : i32, i32
  }
  func.func @transform_1(%arg0: i32) -> (i32, i32) {
    %c0_i32 = arith.constant 0 : i32
    %c0_i32_0 = arith.constant 0 : i32
    %c0_i32_1 = arith.constant 0 : i32
    return %c0_i32, %c0_i32_0 : i32, i32
  }
  func.func @transform_2(%arg0: i32) -> (i32, i32) {
    %c0_i32 = arith.constant 0 : i32
    %c0_i32_0 = arith.constant 0 : i32
    return %arg0, %c0_i32 : i32, i32
  }
}

module attributes {stable_mosaic.version = 14 : i64} {
  func.func @_layer_body(%arg0: i32, %arg1: memref<1024x128xf32, #tpu.memory_space<vmem>>, %arg2: memref<1024x128xf32, #tpu.memory_space<vmem>>, %arg3: memref<1024x128xf32, #tpu.memory_space<vmem>>, %arg4: memref<1024x1xf32, #tpu.memory_space<vmem>>, %arg5: memref<1024x1xf32, #tpu.memory_space<vmem>>, %arg6: memref<1x128xf32, #tpu.memory_space<vmem>>, %arg7: memref<128x128xf32, #tpu.memory_space<vmem>>, %arg8: memref<1024x128xf32, #tpu.memory_space<vmem>>) attributes {dimension_semantics = [#tpu.dimension_semantics<arbitrary>], iteration_bounds = array<i64: 10>, scalar_prefetch = 0 : i64, scratch_operands = 0 : i64, tpu.core_type = #tpu.core_type<tc>, window_params = [{transform_indices = @transform_0, window_bounds = array<i64: 1024, 128>}, {transform_indices = @transform_1, window_bounds = array<i64: 1024, 128>}, {transform_indices = @transform_2, window_bounds = array<i64: 1024, 128>}, {transform_indices = @transform_3, window_bounds = array<i64: 1024, 1>}, {transform_indices = @transform_4, window_bounds = array<i64: 1024, 1>}, {pipeline_mode = #tpu.pipeline_mode<synchronous>, transform_indices = @transform_5, window_bounds = array<i64: 1, 128>}, {pipeline_mode = #tpu.pipeline_mode<synchronous>, transform_indices = @transform_6, window_bounds = array<i64: 128, 128>}, {transform_indices = @transform_7, window_bounds = array<i64: 1024, 128>}]} {
    %get3A = arith.constant 0 : index
    %get3A_0 = arith.constant 0 : index
    %get3A_1 = vector.load %arg4[%get3A, %get3A_0] : memref<1024x1xf32, #tpu.memory_space<vmem>>, vector<1024x1xf32>
    %get3A_2 = arith.constant 0 : index
    %get3A_3 = arith.constant 0 : index
    %get3A_4 = vector.load %arg5[%get3A_2, %get3A_3] : memref<1024x1xf32, #tpu.memory_space<vmem>>, vector<1024x1xf32>
    %add3A = arith.addf %get3A_1, %get3A_4 : vector<1024x1xf32>
    %add3A_5 = arith.constant 2.000000e+00 : f32
    %add3A_6 = vector.broadcast %add3A_5 : f32 to vector<1024x1xf32>
    %add3A_7 = arith.addf %add3A, %add3A_6 : vector<1024x1xf32>
    %div3A = arith.constant 1.000000e+00 : f32
    %div3A_8 = vector.broadcast %div3A : f32 to vector<1024x1xf32>
    %div3A_9 = arith.divf %div3A_8, %add3A_7 : vector<1024x1xf32>
    %get3A_10 = arith.constant 0 : index
    %get3A_11 = arith.constant 0 : index
    %get3A_12 = vector.load %arg1[%get3A_10, %get3A_11] : memref<1024x128xf32, #tpu.memory_space<vmem>>, vector<1024x128xf32>
    %get3A_13 = arith.constant 0 : index
    %get3A_14 = arith.constant 0 : index
    %get3A_15 = vector.load %arg2[%get3A_13, %get3A_14] : memref<1024x128xf32, #tpu.memory_space<vmem>>, vector<1024x128xf32>
    %add3A_16 = arith.addf %get3A_12, %get3A_15 : vector<1024x128xf32>
    %get3A_17 = arith.constant 0 : index
    %get3A_18 = arith.constant 0 : index
    %get3A_19 = vector.load %arg3[%get3A_17, %get3A_18] : memref<1024x128xf32, #tpu.memory_space<vmem>>, vector<1024x128xf32>
    %mul3A = arith.constant 2.000000e+00 : f32
    %mul3A_20 = vector.broadcast %mul3A : f32 to vector<1024x128xf32>
    %mul3A_21 = arith.mulf %mul3A_20, %get3A_19 : vector<1024x128xf32>
    %add3A_22 = arith.addf %add3A_16, %mul3A_21 : vector<1024x128xf32>
    %mul3A_23 = vector.broadcast %div3A_9 : vector<1024x1xf32> to vector<1024x128xf32>
    %mul3A_24 = arith.mulf %add3A_22, %mul3A_23 : vector<1024x128xf32>
    %get3A_25 = arith.constant 0 : index
    %get3A_26 = arith.constant 0 : index
    %get3A_27 = vector.load %arg6[%get3A_25, %get3A_26] : memref<1x128xf32, #tpu.memory_space<vmem>>, vector<1x128xf32>
    %add3A_28 = vector.broadcast %get3A_27 : vector<1x128xf32> to vector<1024x128xf32>
    %add3A_29 = arith.addf %mul3A_24, %add3A_28 : vector<1024x128xf32>
    %max3A = arith.constant 0.000000e+00 : f32
    %max3A_30 = vector.broadcast %max3A : f32 to vector<1024x128xf32>
    %max3A_31 = arith.maximumf %add3A_29, %max3A_30 : vector<1024x128xf32>
    %get3A_32 = arith.constant 0 : index
    %get3A_33 = arith.constant 0 : index
    %get3A_34 = vector.load %arg7[%get3A_32, %get3A_33] : memref<128x128xf32, #tpu.memory_space<vmem>>, vector<128x128xf32>
    %dot_general3A = arith.constant dense<0.000000e+00> : vector<1024x128xf32>
    %dot_general3A_35 = tpu.matmul %max3A_31, %get3A_34, %dot_general3A {dimension_numbers = #tpu.dot_dimension_numbers<[1], [0], [0], [1], [0, 0, 1, 1], [], []>, precision = #tpu.contract_precision<fp32>, transpose_lhs_hint = false} : vector<1024x128xf32>, vector<128x128xf32>, vector<1024x128xf32> -> vector<1024x128xf32>
    %swap3A = arith.constant 0 : index
    %swap3A_36 = arith.constant 0 : index
    %swap3A_37 = vector.load %arg8[%swap3A, %swap3A_36] : memref<1024x128xf32, #tpu.memory_space<vmem>>, vector<1024x128xf32>
    tpu.vector_store %arg8[%swap3A, %swap3A_36], %dot_general3A_35 {strides = array<i32>} : memref<1024x128xf32, #tpu.memory_space<vmem>>, vector<1024x128xf32>,
    return
  }
  func.func @transform_0(%arg0: i32) -> (i32, i32) {
    %c0_i32 = arith.constant 0 : i32
    %c0_i32_0 = arith.constant 0 : i32
    return %arg0, %c0_i32 : i32, i32
  }
  func.func @transform_1(%arg0: i32) -> (i32, i32) {
    %c0_i32 = arith.constant 0 : i32
    %c0_i32_0 = arith.constant 0 : i32
    return %arg0, %c0_i32 : i32, i32
  }
  func.func @transform_2(%arg0: i32) -> (i32, i32) {
    %c0_i32 = arith.constant 0 : i32
    %c0_i32_0 = arith.constant 0 : i32
    return %arg0, %c0_i32 : i32, i32
  }
  func.func @transform_3(%arg0: i32) -> (i32, i32) {
    %c0_i32 = arith.constant 0 : i32
    %c0_i32_0 = arith.constant 0 : i32
    return %arg0, %c0_i32 : i32, i32
  }
  func.func @transform_4(%arg0: i32) -> (i32, i32) {
    %c0_i32 = arith.constant 0 : i32
    %c0_i32_0 = arith.constant 0 : i32
    return %arg0, %c0_i32 : i32, i32
  }
  func.func @transform_5(%arg0: i32) -> (i32, i32) {
    %c0_i32 = arith.constant 0 : i32
    %c0_i32_0 = arith.constant 0 : i32
    %c0_i32_1 = arith.constant 0 : i32
    return %c0_i32, %c0_i32_0 : i32, i32
  }
  func.func @transform_6(%arg0: i32) -> (i32, i32) {
    %c0_i32 = arith.constant 0 : i32
    %c0_i32_0 = arith.constant 0 : i32
    %c0_i32_1 = arith.constant 0 : i32
    return %c0_i32, %c0_i32_0 : i32, i32
  }
  func.func @transform_7(%arg0: i32) -> (i32, i32) {
    %c0_i32 = arith.constant 0 : i32
    %c0_i32_0 = arith.constant 0 : i32
    return %arg0, %c0_i32 : i32, i32
  }
}

module attributes {stable_mosaic.version = 14 : i64} {
  func.func @_mlp_body(%arg0: i32, %arg1: memref<1024x128xf32, #tpu.memory_space<vmem>>, %arg2: memref<1024x128xf32, #tpu.memory_space<vmem>>, %arg3: memref<1024x128xf32, #tpu.memory_space<vmem>>, %arg4: memref<1024x1xf32, #tpu.memory_space<vmem>>, %arg5: memref<1024x1xf32, #tpu.memory_space<vmem>>, %arg6: memref<1x128xf32, #tpu.memory_space<vmem>>, %arg7: memref<128x256xf32, #tpu.memory_space<vmem>>, %arg8: memref<1x256xf32, #tpu.memory_space<vmem>>, %arg9: memref<1024x256xf32, #tpu.memory_space<vmem>>, %arg10: memref<1x256xf32, #tpu.memory_space<vmem>>, %arg11: memref<1x256xf32, #tpu.memory_space<vmem>>) attributes {dimension_semantics = [#tpu.dimension_semantics<arbitrary>], iteration_bounds = array<i64: 10>, scalar_prefetch = 0 : i64, scratch_operands = 0 : i64, tpu.core_type = #tpu.core_type<tc>, window_params = [{transform_indices = @transform_0, window_bounds = array<i64: 1024, 128>}, {transform_indices = @transform_1, window_bounds = array<i64: 1024, 128>}, {transform_indices = @transform_2, window_bounds = array<i64: 1024, 128>}, {transform_indices = @transform_3, window_bounds = array<i64: 1024, 1>}, {transform_indices = @transform_4, window_bounds = array<i64: 1024, 1>}, {pipeline_mode = #tpu.pipeline_mode<synchronous>, transform_indices = @transform_5, window_bounds = array<i64: 1, 128>}, {pipeline_mode = #tpu.pipeline_mode<synchronous>, transform_indices = @transform_6, window_bounds = array<i64: 128, 256>}, {pipeline_mode = #tpu.pipeline_mode<synchronous>, transform_indices = @transform_7, window_bounds = array<i64: 1, 256>}, {transform_indices = @transform_8, window_bounds = array<i64: 1024, 256>}, {pipeline_mode = #tpu.pipeline_mode<synchronous>, transform_indices = @transform_9, window_bounds = array<i64: 1, 256>}, {pipeline_mode = #tpu.pipeline_mode<synchronous>, transform_indices = @transform_10, window_bounds = array<i64: 1, 256>}]} {
    %get3A = arith.constant 0 : index
    %get3A_0 = arith.constant 0 : index
    %get3A_1 = vector.load %arg4[%get3A, %get3A_0] : memref<1024x1xf32, #tpu.memory_space<vmem>>, vector<1024x1xf32>
    %get3A_2 = arith.constant 0 : index
    %get3A_3 = arith.constant 0 : index
    %get3A_4 = vector.load %arg5[%get3A_2, %get3A_3] : memref<1024x1xf32, #tpu.memory_space<vmem>>, vector<1024x1xf32>
    %add3A = arith.addf %get3A_1, %get3A_4 : vector<1024x1xf32>
    %add3A_5 = arith.constant 2.000000e+00 : f32
    %add3A_6 = vector.broadcast %add3A_5 : f32 to vector<1024x1xf32>
    %add3A_7 = arith.addf %add3A, %add3A_6 : vector<1024x1xf32>
    %div3A = arith.constant 1.000000e+00 : f32
    %div3A_8 = vector.broadcast %div3A : f32 to vector<1024x1xf32>
    %div3A_9 = arith.divf %div3A_8, %add3A_7 : vector<1024x1xf32>
    %get3A_10 = arith.constant 0 : index
    %get3A_11 = arith.constant 0 : index
    %get3A_12 = vector.load %arg1[%get3A_10, %get3A_11] : memref<1024x128xf32, #tpu.memory_space<vmem>>, vector<1024x128xf32>
    %get3A_13 = arith.constant 0 : index
    %get3A_14 = arith.constant 0 : index
    %get3A_15 = vector.load %arg2[%get3A_13, %get3A_14] : memref<1024x128xf32, #tpu.memory_space<vmem>>, vector<1024x128xf32>
    %add3A_16 = arith.addf %get3A_12, %get3A_15 : vector<1024x128xf32>
    %get3A_17 = arith.constant 0 : index
    %get3A_18 = arith.constant 0 : index
    %get3A_19 = vector.load %arg3[%get3A_17, %get3A_18] : memref<1024x128xf32, #tpu.memory_space<vmem>>, vector<1024x128xf32>
    %mul3A = arith.constant 2.000000e+00 : f32
    %mul3A_20 = vector.broadcast %mul3A : f32 to vector<1024x128xf32>
    %mul3A_21 = arith.mulf %mul3A_20, %get3A_19 : vector<1024x128xf32>
    %add3A_22 = arith.addf %add3A_16, %mul3A_21 : vector<1024x128xf32>
    %mul3A_23 = vector.broadcast %div3A_9 : vector<1024x1xf32> to vector<1024x128xf32>
    %mul3A_24 = arith.mulf %add3A_22, %mul3A_23 : vector<1024x128xf32>
    %get3A_25 = arith.constant 0 : index
    %get3A_26 = arith.constant 0 : index
    %get3A_27 = vector.load %arg6[%get3A_25, %get3A_26] : memref<1x128xf32, #tpu.memory_space<vmem>>, vector<1x128xf32>
    %add3A_28 = vector.broadcast %get3A_27 : vector<1x128xf32> to vector<1024x128xf32>
    %add3A_29 = arith.addf %mul3A_24, %add3A_28 : vector<1024x128xf32>
    %max3A = arith.constant 0.000000e+00 : f32
    %max3A_30 = vector.broadcast %max3A : f32 to vector<1024x128xf32>
    %max3A_31 = arith.maximumf %add3A_29, %max3A_30 : vector<1024x128xf32>
    %get3A_32 = arith.constant 0 : index
    %get3A_33 = arith.constant 0 : index
    %get3A_34 = vector.load %arg7[%get3A_32, %get3A_33] : memref<128x256xf32, #tpu.memory_space<vmem>>, vector<128x256xf32>
    %dot_general3A = arith.constant dense<0.000000e+00> : vector<1024x256xf32>
    %dot_general3A_35 = tpu.matmul %max3A_31, %get3A_34, %dot_general3A {dimension_numbers = #tpu.dot_dimension_numbers<[1], [0], [0], [1], [0, 0, 1, 1], [], []>, precision = #tpu.contract_precision<fp32>, transpose_lhs_hint = false} : vector<1024x128xf32>, vector<128x256xf32>, vector<1024x256xf32> -> vector<1024x256xf32>
    %get3A_36 = arith.constant 0 : index
    %get3A_37 = arith.constant 0 : index
    %get3A_38 = vector.load %arg8[%get3A_36, %get3A_37] : memref<1x256xf32, #tpu.memory_space<vmem>>, vector<1x256xf32>
    %add3A_39 = vector.broadcast %get3A_38 : vector<1x256xf32> to vector<1024x256xf32>
    %add3A_40 = arith.addf %dot_general3A_35, %add3A_39 : vector<1024x256xf32>
    %max3A_41 = arith.constant 0.000000e+00 : f32
    %max3A_42 = vector.broadcast %max3A_41 : f32 to vector<1024x256xf32>
    %max3A_43 = arith.maximumf %add3A_40, %max3A_42 : vector<1024x256xf32>
    %swap3A = arith.constant 0 : index
    %swap3A_44 = arith.constant 0 : index
    %swap3A_45 = vector.load %arg9[%swap3A, %swap3A_44] : memref<1024x256xf32, #tpu.memory_space<vmem>>, vector<1024x256xf32>
    tpu.vector_store %arg9[%swap3A, %swap3A_44], %max3A_43 {strides = array<i32>} : memref<1024x256xf32, #tpu.memory_space<vmem>>, vector<1024x256xf32>,
    %mul3A_46 = arith.constant 1024 : i32
    %mul3A_47 = arith.muli %arg0, %mul3A_46 : i32
    %iota3A = tpu.iota {dimensions = array<i32: 0>} : vector<1024x1xi32>
    %add3A_48 = vector.broadcast %mul3A_47 : i32 to vector<1024x1xi32>
    %add3A_49 = arith.addi %add3A_48, %iota3A : vector<1024x1xi32>
    %lt3A = arith.constant 10000 : i32
    %lt3A_50 = vector.broadcast %lt3A : i32 to vector<1024x1xi32>
    %lt3A_51 = arith.cmpi slt, %add3A_49, %lt3A_50 : vector<1024x1xi32>
    %jit3A = arith.constant 0.000000e+00 : f32
    %broadcast_in_dim3A = vector.shape_cast %lt3A_51 : vector<1024x1xi1> to vector<1024x1xi1>
    %broadcast_in_dim3A_52 = vector.broadcast %broadcast_in_dim3A : vector<1024x1xi1> to vector<1024x256xi1>
    %broadcast_in_dim3A_53 = vector.broadcast %jit3A : f32 to vector<1024x256xf32>
    %select_n3A = arith.select %broadcast_in_dim3A_52, %max3A_43, %broadcast_in_dim3A_53 : vector<1024x256xi1>, vector<1024x256xf32>
    %eq3A = arith.constant 0 : i32
    %eq3A_54 = arith.cmpi eq, %arg0, %eq3A : i32
    %convert_element_type3A = arith.extui %eq3A_54 : i1 to i32
    %cond3A = arith.constant 0 : i32
    %cond3A_55 = arith.cmpi ne, %convert_element_type3A, %cond3A : i32
    scf.if %cond3A_55 {
      %broadcast_in_dim3A_76 = arith.constant 0.000000e+00 : f32
      %broadcast_in_dim3A_77 = vector.broadcast %broadcast_in_dim3A_76 : f32 to vector<1x256xf32>
      %swap3A_78 = arith.constant 0 : index
      %swap3A_79 = arith.constant 0 : index
      %swap3A_80 = vector.load %arg10[%swap3A_78, %swap3A_79] : memref<1x256xf32, #tpu.memory_space<vmem>>, vector<1x256xf32>
      tpu.vector_store %arg10[%swap3A_78, %swap3A_79], %broadcast_in_dim3A_77 {strides = array<i32>} : memref<1x256xf32, #tpu.memory_space<vmem>>, vector<1x256xf32>,
      %broadcast_in_dim3A_81 = arith.constant 0.000000e+00 : f32
      %broadcast_in_dim3A_82 = vector.broadcast %broadcast_in_dim3A_81 : f32 to vector<1x256xf32>
      %swap3A_83 = arith.constant 0 : index
      %swap3A_84 = arith.constant 0 : index
      %swap3A_85 = vector.load %arg11[%swap3A_83, %swap3A_84] : memref<1x256xf32, #tpu.memory_space<vmem>>, vector<1x256xf32>
      tpu.vector_store %arg11[%swap3A_83, %swap3A_84], %broadcast_in_dim3A_82 {strides = array<i32>} : memref<1x256xf32, #tpu.memory_space<vmem>>, vector<1x256xf32>,
    } else {
    }
    %get3A_56 = arith.constant 0 : index
    %get3A_57 = arith.constant 0 : index
    %get3A_58 = vector.load %arg10[%get3A_56, %get3A_57] : memref<1x256xf32, #tpu.memory_space<vmem>>, vector<1x256xf32>
    %reduce_sum3A = arith.constant dense<0.000000e+00> : vector<256xf32>
    %reduce_sum3A_59 = vector.multi_reduction <add>, %select_n3A, %reduce_sum3A [0] : vector<1024x256xf32> to vector<256xf32>
    %broadcast_in_dim3A_60 = vector.shape_cast %reduce_sum3A_59 : vector<256xf32> to vector<1x256xf32>
    %add3A_61 = arith.addf %get3A_58, %broadcast_in_dim3A_60 : vector<1x256xf32>
    %swap3A_62 = arith.constant 0 : index
    %swap3A_63 = arith.constant 0 : index
    %swap3A_64 = vector.load %arg10[%swap3A_62, %swap3A_63] : memref<1x256xf32, #tpu.memory_space<vmem>>, vector<1x256xf32>
    tpu.vector_store %arg10[%swap3A_62, %swap3A_63], %add3A_61 {strides = array<i32>} : memref<1x256xf32, #tpu.memory_space<vmem>>, vector<1x256xf32>,
    %get3A_65 = arith.constant 0 : index
    %get3A_66 = arith.constant 0 : index
    %get3A_67 = vector.load %arg11[%get3A_65, %get3A_66] : memref<1x256xf32, #tpu.memory_space<vmem>>, vector<1x256xf32>
    %mul3A_68 = arith.mulf %select_n3A, %select_n3A : vector<1024x256xf32>
    %reduce_sum3A_69 = arith.constant dense<0.000000e+00> : vector<256xf32>
    %reduce_sum3A_70 = vector.multi_reduction <add>, %mul3A_68, %reduce_sum3A_69 [0] : vector<1024x256xf32> to vector<256xf32>
    %broadcast_in_dim3A_71 = vector.shape_cast %reduce_sum3A_70 : vector<256xf32> to vector<1x256xf32>
    %add3A_72 = arith.addf %get3A_67, %broadcast_in_dim3A_71 : vector<1x256xf32>
    %swap3A_73 = arith.constant 0 : index
    %swap3A_74 = arith.constant 0 : index
    %swap3A_75 = vector.load %arg11[%swap3A_73, %swap3A_74] : memref<1x256xf32, #tpu.memory_space<vmem>>, vector<1x256xf32>
    tpu.vector_store %arg11[%swap3A_73, %swap3A_74], %add3A_72 {strides = array<i32>} : memref<1x256xf32, #tpu.memory_space<vmem>>, vector<1x256xf32>,
    return
  }
  func.func @transform_0(%arg0: i32) -> (i32, i32) {
    %c0_i32 = arith.constant 0 : i32
    %c0_i32_0 = arith.constant 0 : i32
    return %arg0, %c0_i32 : i32, i32
  }
  func.func @transform_1(%arg0: i32) -> (i32, i32) {
    %c0_i32 = arith.constant 0 : i32
    %c0_i32_0 = arith.constant 0 : i32
    return %arg0, %c0_i32 : i32, i32
  }
  func.func @transform_2(%arg0: i32) -> (i32, i32) {
    %c0_i32 = arith.constant 0 : i32
    %c0_i32_0 = arith.constant 0 : i32
    return %arg0, %c0_i32 : i32, i32
  }
  func.func @transform_3(%arg0: i32) -> (i32, i32) {
    %c0_i32 = arith.constant 0 : i32
    %c0_i32_0 = arith.constant 0 : i32
    return %arg0, %c0_i32 : i32, i32
  }
  func.func @transform_4(%arg0: i32) -> (i32, i32) {
    %c0_i32 = arith.constant 0 : i32
    %c0_i32_0 = arith.constant 0 : i32
    return %arg0, %c0_i32 : i32, i32
  }
  func.func @transform_5(%arg0: i32) -> (i32, i32) {
    %c0_i32 = arith.constant 0 : i32
    %c0_i32_0 = arith.constant 0 : i32
    %c0_i32_1 = arith.constant 0 : i32
    return %c0_i32, %c0_i32_0 : i32, i32
  }
  func.func @transform_6(%arg0: i32) -> (i32, i32) {
    %c0_i32 = arith.constant 0 : i32
    %c0_i32_0 = arith.constant 0 : i32
    %c0_i32_1 = arith.constant 0 : i32
    return %c0_i32, %c0_i32_0 : i32, i32
  }
  func.func @transform_7(%arg0: i32) -> (i32, i32) {
    %c0_i32 = arith.constant 0 : i32
    %c0_i32_0 = arith.constant 0 : i32
    %c0_i32_1 = arith.constant 0 : i32
    return %c0_i32, %c0_i32_0 : i32, i32
  }
  func.func @transform_8(%arg0: i32) -> (i32, i32) {
    %c0_i32 = arith.constant 0 : i32
    %c0_i32_0 = arith.constant 0 : i32
    return %arg0, %c0_i32 : i32, i32
  }
  func.func @transform_9(%arg0: i32) -> (i32, i32) {
    %c0_i32 = arith.constant 0 : i32
    %c0_i32_0 = arith.constant 0 : i32
    %c0_i32_1 = arith.constant 0 : i32
    return %c0_i32, %c0_i32_0 : i32, i32
  }
  func.func @transform_10(%arg0: i32) -> (i32, i32) {
    %c0_i32 = arith.constant 0 : i32
    %c0_i32_0 = arith.constant 0 : i32
    %c0_i32_1 = arith.constant 0 : i32
    return %c0_i32, %c0_i32_0 : i32, i32
  }
}

module attributes {stable_mosaic.version = 14 : i64} {
  func.func @_out_body(%arg0: i32, %arg1: memref<1024x256xf32, #tpu.memory_space<vmem>>, %arg2: memref<1x256xf32, #tpu.memory_space<vmem>>, %arg3: memref<1x256xf32, #tpu.memory_space<vmem>>, %arg4: memref<1x256xf32, #tpu.memory_space<vmem>>, %arg5: memref<1x256xf32, #tpu.memory_space<vmem>>, %arg6: memref<256x128xf32, #tpu.memory_space<vmem>>, %arg7: memref<1x128xf32, #tpu.memory_space<vmem>>, %arg8: memref<1024x128xf32, #tpu.memory_space<vmem>>) attributes {dimension_semantics = [#tpu.dimension_semantics<arbitrary>], iteration_bounds = array<i64: 10>, scalar_prefetch = 0 : i64, scratch_operands = 0 : i64, tpu.core_type = #tpu.core_type<tc>, window_params = [{transform_indices = @transform_0, window_bounds = array<i64: 1024, 256>}, {pipeline_mode = #tpu.pipeline_mode<synchronous>, transform_indices = @transform_1, window_bounds = array<i64: 1, 256>}, {pipeline_mode = #tpu.pipeline_mode<synchronous>, transform_indices = @transform_2, window_bounds = array<i64: 1, 256>}, {pipeline_mode = #tpu.pipeline_mode<synchronous>, transform_indices = @transform_3, window_bounds = array<i64: 1, 256>}, {pipeline_mode = #tpu.pipeline_mode<synchronous>, transform_indices = @transform_4, window_bounds = array<i64: 1, 256>}, {pipeline_mode = #tpu.pipeline_mode<synchronous>, transform_indices = @transform_5, window_bounds = array<i64: 256, 128>}, {pipeline_mode = #tpu.pipeline_mode<synchronous>, transform_indices = @transform_6, window_bounds = array<i64: 1, 128>}, {transform_indices = @transform_7, window_bounds = array<i64: 1024, 128>}]} {
    %get3A = arith.constant 0 : index
    %get3A_0 = arith.constant 0 : index
    %get3A_1 = vector.load %arg2[%get3A, %get3A_0] : memref<1x256xf32, #tpu.memory_space<vmem>>, vector<1x256xf32>
    %mul3A = arith.constant 9.99999974E-5 : f32
    %mul3A_2 = vector.broadcast %mul3A : f32 to vector<1x256xf32>
    %mul3A_3 = arith.mulf %get3A_1, %mul3A_2 : vector<1x256xf32>
    %get3A_4 = arith.constant 0 : index
    %get3A_5 = arith.constant 0 : index
    %get3A_6 = vector.load %arg3[%get3A_4, %get3A_5] : memref<1x256xf32, #tpu.memory_space<vmem>>, vector<1x256xf32>
    %mul3A_7 = arith.constant 9.99999974E-5 : f32
    %mul3A_8 = vector.broadcast %mul3A_7 : f32 to vector<1x256xf32>
    %mul3A_9 = arith.mulf %get3A_6, %mul3A_8 : vector<1x256xf32>
    %mul3A_10 = arith.mulf %mul3A_3, %mul3A_3 : vector<1x256xf32>
    %sub3A = arith.subf %mul3A_9, %mul3A_10 : vector<1x256xf32>
    %get3A_11 = arith.constant 0 : index
    %get3A_12 = arith.constant 0 : index
    %get3A_13 = vector.load %arg4[%get3A_11, %get3A_12] : memref<1x256xf32, #tpu.memory_space<vmem>>, vector<1x256xf32>
    %add3A = arith.constant 9.99999974E-6 : f32
    %add3A_14 = vector.broadcast %add3A : f32 to vector<1x256xf32>
    %add3A_15 = arith.addf %sub3A, %add3A_14 : vector<1x256xf32>
    %rsqrt3A = math.rsqrt %add3A_15 : vector<1x256xf32>
    %mul3A_16 = arith.mulf %get3A_13, %rsqrt3A : vector<1x256xf32>
    %get3A_17 = arith.constant 0 : index
    %get3A_18 = arith.constant 0 : index
    %get3A_19 = vector.load %arg1[%get3A_17, %get3A_18] : memref<1024x256xf32, #tpu.memory_space<vmem>>, vector<1024x256xf32>
    %mul3A_20 = vector.broadcast %mul3A_16 : vector<1x256xf32> to vector<1024x256xf32>
    %mul3A_21 = arith.mulf %get3A_19, %mul3A_20 : vector<1024x256xf32>
    %get3A_22 = arith.constant 0 : index
    %get3A_23 = arith.constant 0 : index
    %get3A_24 = vector.load %arg5[%get3A_22, %get3A_23] : memref<1x256xf32, #tpu.memory_space<vmem>>, vector<1x256xf32>
    %mul3A_25 = arith.mulf %mul3A_3, %mul3A_16 : vector<1x256xf32>
    %sub3A_26 = arith.subf %get3A_24, %mul3A_25 : vector<1x256xf32>
    %add3A_27 = vector.broadcast %sub3A_26 : vector<1x256xf32> to vector<1024x256xf32>
    %add3A_28 = arith.addf %mul3A_21, %add3A_27 : vector<1024x256xf32>
    %get3A_29 = arith.constant 0 : index
    %get3A_30 = arith.constant 0 : index
    %get3A_31 = vector.load %arg6[%get3A_29, %get3A_30] : memref<256x128xf32, #tpu.memory_space<vmem>>, vector<256x128xf32>
    %dot_general3A = arith.constant dense<0.000000e+00> : vector<1024x128xf32>
    %dot_general3A_32 = tpu.matmul %add3A_28, %get3A_31, %dot_general3A {dimension_numbers = #tpu.dot_dimension_numbers<[1], [0], [0], [1], [0, 0, 1, 1], [], []>, precision = #tpu.contract_precision<fp32>, transpose_lhs_hint = false} : vector<1024x256xf32>, vector<256x128xf32>, vector<1024x128xf32> -> vector<1024x128xf32>
    %get3A_33 = arith.constant 0 : index
    %get3A_34 = arith.constant 0 : index
    %get3A_35 = vector.load %arg7[%get3A_33, %get3A_34] : memref<1x128xf32, #tpu.memory_space<vmem>>, vector<1x128xf32>
    %add3A_36 = vector.broadcast %get3A_35 : vector<1x128xf32> to vector<1024x128xf32>
    %add3A_37 = arith.addf %dot_general3A_32, %add3A_36 : vector<1024x128xf32>
    %neg3A = arith.constant 0.000000e+00 : f32
    %neg3A_38 = vector.broadcast %neg3A : f32 to vector<1024x128xf32>
    %neg3A_39 = arith.subf %neg3A_38, %add3A_37 : vector<1024x128xf32>
    %exp3A = math.exp %neg3A_39 : vector<1024x128xf32>
    %add3A_40 = arith.constant 1.000000e+00 : f32
    %add3A_41 = vector.broadcast %add3A_40 : f32 to vector<1024x128xf32>
    %add3A_42 = arith.addf %add3A_41, %exp3A : vector<1024x128xf32>
    %div3A = arith.constant 1.000000e+00 : f32
    %div3A_43 = vector.broadcast %div3A : f32 to vector<1024x128xf32>
    %div3A_44 = arith.divf %div3A_43, %add3A_42 : vector<1024x128xf32>
    %swap3A = arith.constant 0 : index
    %swap3A_45 = arith.constant 0 : index
    %swap3A_46 = vector.load %arg8[%swap3A, %swap3A_45] : memref<1024x128xf32, #tpu.memory_space<vmem>>, vector<1024x128xf32>
    tpu.vector_store %arg8[%swap3A, %swap3A_45], %div3A_44 {strides = array<i32>} : memref<1024x128xf32, #tpu.memory_space<vmem>>, vector<1024x128xf32>,
    return
  }
  func.func @transform_0(%arg0: i32) -> (i32, i32) {
    %c0_i32 = arith.constant 0 : i32
    %c0_i32_0 = arith.constant 0 : i32
    return %arg0, %c0_i32 : i32, i32
  }
  func.func @transform_1(%arg0: i32) -> (i32, i32) {
    %c0_i32 = arith.constant 0 : i32
    %c0_i32_0 = arith.constant 0 : i32
    %c0_i32_1 = arith.constant 0 : i32
    return %c0_i32, %c0_i32_0 : i32, i32
  }
  func.func @transform_2(%arg0: i32) -> (i32, i32) {
    %c0_i32 = arith.constant 0 : i32
    %c0_i32_0 = arith.constant 0 : i32
    %c0_i32_1 = arith.constant 0 : i32
    return %c0_i32, %c0_i32_0 : i32, i32
  }
  func.func @transform_3(%arg0: i32) -> (i32, i32) {
    %c0_i32 = arith.constant 0 : i32
    %c0_i32_0 = arith.constant 0 : i32
    %c0_i32_1 = arith.constant 0 : i32
    return %c0_i32, %c0_i32_0 : i32, i32
  }
  func.func @transform_4(%arg0: i32) -> (i32, i32) {
    %c0_i32 = arith.constant 0 : i32
    %c0_i32_0 = arith.constant 0 : i32
    %c0_i32_1 = arith.constant 0 : i32
    return %c0_i32, %c0_i32_0 : i32, i32
  }
  func.func @transform_5(%arg0: i32) -> (i32, i32) {
    %c0_i32 = arith.constant 0 : i32
    %c0_i32_0 = arith.constant 0 : i32
    %c0_i32_1 = arith.constant 0 : i32
    return %c0_i32, %c0_i32_0 : i32, i32
  }
  func.func @transform_6(%arg0: i32) -> (i32, i32) {
    %c0_i32 = arith.constant 0 : i32
    %c0_i32_0 = arith.constant 0 : i32
    %c0_i32_1 = arith.constant 0 : i32
    return %c0_i32, %c0_i32_0 : i32, i32
  }
  func.func @transform_7(%arg0: i32) -> (i32, i32) {
    %c0_i32 = arith.constant 0 : i32
    %c0_i32_0 = arith.constant 0 : i32
    return %arg0, %c0_i32 : i32, i32
  }
}

</mosaic_0001>

<sc_bundles>
// kernel: kernel.12.cloned.1.call-start
scs
__scs_entry_jumppad:
0x0: {  	(pc) =	sbr.rel $0x88, $3  }
0x1: {  	(tag) =	ssettag $0x0;
	lr =	simm.s32 $0x1  }
0x2: {  	[smem:$0x3F95] =	sst lr;
	_ =	strace $0xD0000000  }
0x3: {  	_ = 	snop  }
0x4: {  	_ = 	snop  }
0x5: {  	_ = 	snop  }
0x6: {  	_ = 	snop  }
0x7: {  	_ = 	snop  }
__scs_overlays_trampoline_lowered:
0x8: {  	[smem:$0x3FA4] =	sst s0  }
0x9: {  	[smem:$0x3FA5] =	sst s1  }
0xa: {  	[smem:$0x3FA6] =	sst s2  }
0xb: {  	[smem:$0x3FA7] =	sst s3  }
0xc: {  	[smem:$0x3FA8] =	sst s4  }
0xd: {  	[smem:$0x3FA9] =	sst s5  }
0xe: {  	[smem:$0x3FAA] =	sst s6  }
0xf: {  	[smem:$0x3FAB] =	sst s7  }
0x10: {  	[smem:$0x3FAC] =	sst s8  }
0x11: {  	[smem:$0x3FAD] =	sst s9;
	s0 =	simm.s32 @!p0 $0x0  }
0x12: {  	s1 =	sld [smem:$0x3F93];
	s0 =	simm.s32 @p0 $0x1  }
0x13: {  	[smem:$0x3FAE] =	sst s0;
	s0 =	simm.s32 @!p1 $0x0  }
0x14: {  	s2 =	sld [smem:$0x3F92];
	s0 =	simm.s32 @p1 $0x1  }
0x15: {  	[smem:$0x3FAF] =	sst s0;
	s0 =	simm.s32 @!p2 $0x0  }
0x16: {  	s3 =	sld [smem:$0x3FDB];
	s0 =	simm.s32 @p2 $0x1  }
0x17: {  	s4 =	simm.s32 $0x1BF5;
	[smem:$0x3FB1] =	sst s0  }
0x18: {  	s0 =	sld [smem:$0x3F94];
	_ =	swait.ge [sflag:s4], $0x0  }
0x19: {  	s7 =	sld [smem:$0x3F95]  }
0x1a: {  	s8 =	sadd.s32 $0xFFFFE003, lr  }
0x1b: {  	s9 =	sadd.s32 $0xFFFFFEF7, lr;
	s5 =	simm.s32 $0xFFFFFFFF;
	p2 =	slt.u32 s8, $0xFFFFF086  }
0x1c: {  	p1 =	slt.u32 s9, $0xF7A;
	s5 =	simm.s32 @!p2 $0x0  }
0x1d: {  	s5 =	simm.s32 @p1 $0x1;
	p0 =	seq.s32 s7, s2  }
0x1e: {  	s7 =	smul.u32 @!p0 $0xF7A, s2;
	p2 =	seq.s32 @!p0 s5, $0x0  }
0x1f: {  	s9 =	smul.u32 $0xF7A, s1;
	s8 =	simm.s32 @!p0 $0x1BF5;
	p2 =	por !p2, p0  }
0x20: {  	[sflag:s8] =	ssyncset.s32 @!p0 $0xFFFFF086;
	s6 =	sadd.s32 @!p0 s3, s7;
	s7 =	simm.s32 @!p0 $0x108  }
0x21: {  	s3 =	sadd.s32 s3, s9;
	s6 =	sadd.s32 @!p0 $0x88, s6;
	s7 =	simm.s32 @p2 $0x1082  }
0x22: {  	[simem:s7], [sflag:s8] =	dma.local @!p0 [hbm:s6], $0xF7A  }
0x23: {  	s9 =	sor.u32 $0xD0000000, s2;
	s6 =	simm.s32 $0x108;
	_ =	swait.ge @!p0 [sflag:s8], $0x0  }
0x24: {  	s3 =	sadd.s32 $0x88, s3;
	s6 =	simm.s32 @!p1 $0x1082;
	[sflag:s4] =	ssyncset.s32 $0xFFFFF086  }
0x25: {  	[simem:s6], [sflag:s4] =	dma.local [hbm:s3], $0xF7A  }
0x26: {  	[smem:$0x3F95] =	sst s1;
	(tag) =	ssettag s2;
	_ =	strace s9  }
0x27: {  	s1 =	sld [smem:$0x3FA5]  }
0x28: {  	s2 =	sld [smem:$0x3FA6]  }
0x29: {  	s4 =	sld [smem:$0x3FA8]  }
0x2a: {  	p0 =	seq.s32 s5, $0x0;
	s5 =	sld [smem:$0x3FA9]  }
0x2b: {  	s6 =	sld [smem:$0x3FAA]  }
0x2c: {  	s7 =	sld [smem:$0x3FAB]  }
0x2d: {  	s3 =	simm.s32 $0x108;
	s8 =	sld [smem:$0x3FAC]  }
0x2e: {  	s3 =	simm.s32 @!p0 $0x1082;
	s9 =	sld [smem:$0x3FAD]  }
0x2f: {  	lr =	sadd.s32 s0, s3;
	s0 =	sld [smem:$0x3FA4]  }
0x30: {  	s3 =	sld [smem:$0x3FA7]  }
0x31: {  	[smem:$0x3FB0] =	sst s10  }
0x32: {  	s10 =	sld [smem:$0x3FAE];
	_ =	sdelay $0x3  }
0x33: {  	p0 =	seq.s32 s10, $0x1;
	s10 =	sld [smem:$0x3FB0];
	_ =	sdelay $0x3  }
0x34: {  	[smem:$0x3FB0] =	sst s10  }
0x35: {  	s10 =	sld [smem:$0x3FAF];
	_ =	sdelay $0x3  }
0x36: {  	p1 =	seq.s32 s10, $0x1;
	s10 =	sld [smem:$0x3FB0];
	_ =	sdelay $0x3  }
0x37: {  	[smem:$0x3FB0] =	sst s10  }
0x38: {  	s10 =	sld [smem:$0x3FB1]  }
0x39: {  	_ = 	snop;
	(pc) =	sbr.ind lr, $3  }
0x3a: {  	_ = 	snop  }
0x3b: {  	_ = 	snop  }
0x3c: {  	p2 =	seq.s32 s10, $0x1;
	s10 =	sld [smem:$0x3FB0]  }
0x3d: {  	_ =	shalt  }
0x3e: {  	_ =	shalt  }
0x3f: {  	_ =	shalt  }
0x40: {  	_ =	shalt  }
0x41: {  	_ =	shalt  }
0x42: {  	_ =	shalt  }
0x43: {  	_ =	shalt  }
0x44: {  	_ =	shalt  }
0x45: {  	_ =	shalt  }
0x46: {  	_ =	shalt  }
0x47: {  	_ =	shalt  }
0x48: {  	_ =	shalt  }
0x49: {  	_ =	shalt  }
0x4a: {  	_ =	shalt  }
0x4b: {  	_ =	shalt  }
0x4c: {  	_ =	shalt  }
0x4d: {  	_ =	shalt  }
0x4e: {  	_ =	shalt  }
0x4f: {  	_ =	shalt  }
0x50: {  	_ =	shalt  }
0x51: {  	_ =	shalt  }
0x52: {  	_ =	shalt  }
0x53: {  	_ =	shalt  }
0x54: {  	_ =	shalt  }
0x55: {  	_ =	shalt  }
0x56: {  	_ =	shalt  }
0x57: {  	_ =	shalt  }
0x58: {  	_ =	shalt  }
0x59: {  	_ =	shalt  }
0x5a: {  	_ =	shalt  }
0x5b: {  	_ =	shalt  }
0x5c: {  	_ =	shalt  }
0x5d: {  	_ =	shalt  }
0x5e: {  	_ =	shalt  }
0x5f: {  	_ =	shalt  }
0x60: {  	_ =	shalt  }
0x61: {  	_ =	shalt  }
0x62: {  	_ =	shalt  }
0x63: {  	_ =	shalt  }
0x64: {  	_ =	shalt  }
0x65: {  	_ =	shalt  }
0x66: {  	_ =	shalt  }
0x67: {  	_ =	shalt  }
0x68: {  	_ =	shalt  }
0x69: {  	_ =	shalt  }
0x6a: {  	_ =	shalt  }
0x6b: {  	_ =	shalt  }
0x6c: {  	_ =	shalt  }
0x6d: {  	_ =	shalt  }
0x6e: {  	_ =	shalt  }
0x6f: {  	_ =	shalt  }
0x70: {  	_ =	shalt  }
0x71: {  	_ =	shalt  }
0x72: {  	_ =	shalt  }
0x73: {  	_ =	shalt  }
0x74: {  	_ =	shalt  }
0x75: {  	_ =	shalt  }
0x76: {  	_ =	shalt  }
0x77: {  	_ =	shalt  }
0x78: {  	_ =	shalt  }
0x79: {  	_ =	shalt  }
0x7a: {  	_ =	shalt  }
0x7b: {  	_ =	shalt  }
0x7c: {  	_ =	shalt  }
0x7d: {  	_ =	shalt  }
0x7e: {  	_ =	shalt  }
0x7f: {  	_ =	shalt  }
0x80: {  	_ =	shalt  }
0x81: {  	_ =	shalt  }
0x82: {  	_ =	shalt  }
0x83: {  	_ =	shalt  }
0x84: {  	_ =	shalt  }
0x85: {  	_ =	shalt  }
0x86: {  	_ =	shalt  }
0x87: {  	_ =	shalt  }
.Lfunc_end0:
.L_simem_size_0:
called_computation.1_lowered:
.L_overlay_start_0:
0x88: {  	s2 =	sld [smem:$0x3FD9]  }
0x89: {  	s3 =	sld [smem:$0x3FFE];
	_ =	sdelay $0x1  }
0x8a: {  	s1 =	srdreg.scid  }
0x8b: {  	s0 =	sand.u32 $0x1, s1  }
0x8c: {  	s16 =	sshll.u32 s0, $0xA;
	s2 =	sadd.s32 s3, s2  }
0x8d: {  	s2 =	sadd.s32 s2, s16  }
0x8e: {  	[smem:$0x3FBC] =	sst s2  }
0x8f: {  	_ = 	snop  }
0x90: {  	(tm) =	ssettm $0x1  }
0x91: {  	s17 =	sld [smem:$0x3FFB];
	_ =	sdelay $0x3  }
0x92: {  	_ =	strace s17  }
0x93: {  	s2 =	sld [smem:$0x3FFC];
	_ =	sdelay $0x3  }
0x94: {  	_ =	strace s2  }
0x95: {  	s2 =	sld [smem:$0x3FFD];
	_ =	sdelay $0x3  }
0x96: {  	_ =	strace s2  }
0x97: {  	_ =	strace $0x8FFFFFFF  }
0x98: {  	s18 =	sld [smem:$0x3FDB];
	_ =	sdelay $0x1  }
0x99: {  	s19 =	simm.s32 $_scs_section_size  }
0x9a: {  	s4 =	simm.s32 $_size__tile_overlayer_lowered;
	s5 =	simm.s32 $_tile_overlayer_lowered  }
0x9b: {  	s22 =	simm.s32 $0x1BFF;
	s21 =	sshll.u32 s5, $0x1;
	s2 =	sadd.s32 s19, s18  }
0x9c: {  	s6 =	simm.s32 $0x0;
	s20 =	sshll.u32 s4, $0x1;
	s4 =	sadd.s32 s21, s2  }
0x9d: {  	[timem:s6], [sflag:s22] =	dma.local [hbm:s4], s20  }
0x9e: {  	_ =	swait.ge [sflag:s22], s20  }
0x9f: {  	s3 =	ssub.s32 $0x0, s20;
	[sflag:s22] =	ssyncset.done $0x0  }
0xa0: {  	[sflag:s22] =	ssyncadd.s32 s3;
	_ =	sdelay $0x1  }
0xa1: {  	s23 =	simm.s32 $0x1B8B  }
0xa2: {  	_ =	swait.ge [sflag:s23], $0x1  }
0xa3: {  	[sflag:s23] =	ssyncset.done $0x0  }
0xa4: {  	s25 =	simm.s32 $0x1B8E;
	s24 =	sld [smem:$0x3FFE];
	[sflag:s23] =	ssyncadd.s32 $0xFFFFFFFF  }
0xa5: {  	s26 =	simm.s32 $execute0_lowered;
	[smem:$0x3FD2] =	sst s25  }
0xa6: {  	s4 =	sshll.u32 s26, $0x1;
	_ =	strace $0x80000046;
	[dreg:$0x1] =	wrdreg $0xFFFFFFFF  }
0xa7: {  	s28 =	simm.s32 $_size_execute0_lowered;
	s2 =	sadd.s32 s2, s4;
	[dreg:$0x0] =	wrdreg $0x0  }
0xa8: {  	s4 =	sshll.u32 s28, $0x1;
	[dreg:$0x2] =	wrdreg s2  }
0xa9: {  	[dreg:$0x3] =	wrdreg s4  }
0xaa: {  	[dreg:$0x4] =	wrdreg $0xC0  }
0xab: {  	_ =	task [dreg:s6], $0x5FFFF  }
0xac: {  	[dreg:$0x1] =	wrdreg $0xFFFFFFFF  }
0xad: {  	[dreg:$0x0] =	wrdreg $0x60  }
0xae: {  	[dreg:$0x2] =	wrdreg s24  }
0xaf: {  	[dreg:$0x3] =	wrdreg $0x0  }
0xb0: {  	[dreg:$0x4] =	wrdreg $0xA  }
0xb1: {  	_ =	task.clear_ibuf [dreg:s6], $0x5FFFF;
	_ =	strace $0x90000046  }
0xb2: {  	s29 =	simm.s32 $0xA;
	_ =	strace $0x80000048  }
0xb3: {  	_ =	swait.ge [sflag:s29], $0x1  }
0xb4: {  	[sflag:s29] =	ssyncadd.s32 $0xFFFFFFFF  }
0xb5: {  	_ =	strace $0x90000048  }
0xb6: {  	_ =	sfence  }
0xb7: {  	s30 =	sld [smem:$0x0];
	_ =	sdelay $0x2  }
0xb8: {  	s31 =	sshll.u32 s1, $0xD;
	s1 =	sshrl.u32 s1, $0x2  }
0xb9: {  	s3 =	sand.u32 $0x4000, s31;
	s1 =	sadd.s32 s1, s30  }
0xba: {  	s0 =	sor.u32 s3, s0;
	s1 =	sshll.u32 s1, $0x11  }
0xbb: {  	s0 =	sor.u32 s1, s0  }
0xbc: {  	s0 =	sadd.s32 $0x8F2B, s0  }
0xbd: {  	[sflag:s0] =	ssyncadd.remote.s32 $0x1  }
0xbe: {  	_ =	sfence.sel $0xFFFF  }
0xbf: {  	[dreg:$0x0] =	wrdreg $0xFFFFFFFF;
	(pc) =	sbr.abs _section_cstart, $3  }
0xc0: {  	[dreg:$0x1] =	wrdreg $0xFFFFFFFF  }
0xc1: {  	_ =	task.clear_ibuf [dreg:s6], $0x2FFFF;
	_ =	strace $0x9FFFFFFF  }
0xc2: {  	(tm) =	ssettm $0x7FFFFFFF  }
0xc3: {  	_ =	shalt  }
tec
execute0_lowered:
.L_overlay_start_1:
0x0: {  	(tag) =	ssettag $0x1  }
0x1: {  	s0 =	srdreg.scid;
	s5 =	rddreg [dreg:$0x0]  }
0x2: {  	s8 =	stileid.u32;
	s2 =	rddreg [dreg:$0x1];
	s3 =	simm.s32 $0x0  }
0x3: {  	s12 =	simm.s32 $0x1;
	s13 =	simm.s32 $0x14000;
	s14 =	simm.s32 $0x14400  }
0x4: {  	s15 =	simm.s32 $0x80;
	s16 =	simm.s32 $0x14800;
	s17 =	simm.s32 $0x14080  }
0x5: {  	s18 =	simm.s32 $0x14480;
	s19 =	simm.s32 $0x14100;
	s20 =	simm.s32 $0x14500  }
0x6: {  	s21 =	simm.s32 $0x14180;
	s22 =	simm.s32 $0x14580;
	s23 =	simm.s32 $0x14200  }
0x7: {  	s28 =	simm.s32 $0x14300;
	s29 =	simm.s32 $0x14700;
	s30 =	simm.s32 $0x14380  }
0x8: {  	s31 =	simm.s32 $0x14780;
	s0 =	sand.u32 $0x1, s0;
	s1 =	smul.u32 $0x2800, s8  }
0x9: {  	[smem:$0x7FF] =	sst s3;
	s6 =	smul.u32 $0x50000, s8;
	s9 =	sadd.s32 $0x3FA00, s5  }
0xa: {  	s26 =	sshll.u32 s8, $0x6;
	s4 =	smul.u32 $0x28000, s0;
	s0 =	ssub.s32 $0x2, s0  }
0xb: {  	_ =	strace $0x80000047;
	[dreg:$0x3] =	wrdreg s9;
	s24 =	sshrl.u32 s0, $0x1  }
0xc: {  	s25 =	sshrl.u32 s6, $0x2;
	s6 =	sor.u32 $0x1C01, s26;
	s26 =	simm.s32 $0x14680  }
0xd: {  	s1 =	sadd.s32 s1, s4;
	s0 =	ssub.s32 s0, s24;
	s24 =	simm.s32 $0x14600  }
0xe: {  	s4 =	sshrl.u32 s1, $0x3;
	s1 =	sadd.s32 s1, s5;
	s0 =	smax.u32 s0, $0x1  }
0xf: {  	s7 =	sadd.s32 s4, s5;
	s4 =	sadd.s32 $0x17A00, s5;
	s5 =	sadd.s32 s25, s2  }
0x10: {  	s1 =	sadd.s32 $0x42200, s1;
	[dreg:$0x5] =	wrdreg s0;
	s25 =	simm.s32 $0x14280  }
0x11: {  	[dreg:$0x4] =	wrdreg s1;
	s9 =	sadd.s32 $0x3A00, s7;
	s5 =	sshrl.u32 s5, $0x3  }
0x12: {  	s10 =	sadd.s32 $0xDA00, s7;
	s1 =	simm.s32 $0x0;
	[dreg:$0x6] =	wrdreg s5  }
.LBB2_1:
0x13: {  	s0 =	rddreg [dreg:$0x3]  }
0x14: {  	[spmem:s5], [sflag:s6] =	dma.local [hbm:s0], $0x2800  }
0x15: {  	_ =	swait.ge [sflag:s12], $0x2800  }
0x16: {  	[sflag:s12] =	ssyncset.done $0x0  }
0x17: {  	[sflag:s12] =	ssyncadd.s32 $0xFFFFD800  }
0x18: {  	s7 =	sadd.s32 $0x0, s10;
	[bflag:$0x0] =	sbarrier.arrive $0xFFFF  }
0x19: {  	[tilespmem:s13], [sflag:$0x1] =	stream.linear.gather [hbm4b:s7+s3], $0x400, $0x38;
	[tilespmem:$0x18800] =	vst v63  }
0x1a: {  	_ =	swait.ge [sflag:s12], $0x400  }
0x1b: {  	[sflag:s12] =	ssyncset.done $0x0  }
0x1c: {  	s8 =	sadd.s32 $0x0, s9;
	[sflag:s12] =	ssyncadd.s32 $0xFFFFFC00  }
0x1d: {  	[tilespmem:s14], [sflag:$0x1] =	stream.linear.gather [hbm4b:s8+s3], $0x400, $0x38;
	[tilespmem:$0x18800] =	vst v63  }
0x1e: {  	_ =	swait.ge [sflag:s12], $0x400  }
0x1f: {  	[sflag:s12] =	ssyncset.done $0x0  }
0x20: {  	[sflag:s12] =	ssyncadd.s32 $0xFFFFFC00  }
0x21: {  	[tilespmem:s16], [sflag:$0x1] =	stream.indirect.gather [hbm4b:s4+s15], $0x80, s13, s15, $0xb8;
	[tilespmem:$0x18800] =	vst v63  }
0x22: {  	_ =	swait.ge [sflag:s12], $0x4000  }
0x23: {  	[sflag:s12] =	ssyncset.done $0x0  }
0x24: {  	[sflag:s12] =	ssyncadd.s32 $0xFFFFC000  }
0x25: {  	[spmem:s2] =	stream.indirect.scatter.add.f32 [tilespmem:s16], [sflag:$0x1], $0x80, s14, s15, $0xb8;
	[tilespmem:$0x18800] =	vst v63  }
0x26: {  	_ =	swait.ge [sflag:s12], $0x4000  }
0x27: {  	[sflag:s12] =	ssyncset.done $0x0  }
0x28: {  	[sflag:s12] =	ssyncadd.s32 $0xFFFFC000  }
0x29: {  	[tilespmem:s16], [sflag:$0x1] =	stream.indirect.gather [hbm4b:s4+s15], $0x80, s17, s15, $0xb8;
	[tilespmem:$0x18800] =	vst v63  }
0x2a: {  	_ =	swait.ge [sflag:s12], $0x4000  }
0x2b: {  	[sflag:s12] =	ssyncset.done $0x0  }
0x2c: {  	[sflag:s12] =	ssyncadd.s32 $0xFFFFC000  }
0x2d: {  	[spmem:s2] =	stream.indirect.scatter.add.f32 [tilespmem:s16], [sflag:$0x1], $0x80, s18, s15, $0xb8;
	[tilespmem:$0x18800] =	vst v63  }
0x2e: {  	_ =	swait.ge [sflag:s12], $0x4000  }
0x2f: {  	[sflag:s12] =	ssyncset.done $0x0  }
0x30: {  	[sflag:s12] =	ssyncadd.s32 $0xFFFFC000  }
0x31: {  	[tilespmem:s16], [sflag:$0x1] =	stream.indirect.gather [hbm4b:s4+s15], $0x80, s19, s15, $0xb8;
	[tilespmem:$0x18800] =	vst v63  }
0x32: {  	_ =	swait.ge [sflag:s12], $0x4000  }
0x33: {  	[sflag:s12] =	ssyncset.done $0x0  }
0x34: {  	[sflag:s12] =	ssyncadd.s32 $0xFFFFC000  }
0x35: {  	[spmem:s2] =	stream.indirect.scatter.add.f32 [tilespmem:s16], [sflag:$0x1], $0x80, s20, s15, $0xb8;
	[tilespmem:$0x18800] =	vst v63  }
0x36: {  	_ =	swait.ge [sflag:s12], $0x4000  }
0x37: {  	[sflag:s12] =	ssyncset.done $0x0  }
0x38: {  	[sflag:s12] =	ssyncadd.s32 $0xFFFFC000  }
0x39: {  	[tilespmem:s16], [sflag:$0x1] =	stream.indirect.gather [hbm4b:s4+s15], $0x80, s21, s15, $0xb8;
	[tilespmem:$0x18800] =	vst v63  }
0x3a: {  	_ =	swait.ge [sflag:s12], $0x4000  }
0x3b: {  	[sflag:s12] =	ssyncset.done $0x0  }
0x3c: {  	[sflag:s12] =	ssyncadd.s32 $0xFFFFC000  }
0x3d: {  	[spmem:s2] =	stream.indirect.scatter.add.f32 [tilespmem:s16], [sflag:$0x1], $0x80, s22, s15, $0xb8;
	[tilespmem:$0x18800] =	vst v63  }
0x3e: {  	_ =	swait.ge [sflag:s12], $0x4000  }
0x3f: {  	[sflag:s12] =	ssyncset.done $0x0  }
0x40: {  	[sflag:s12] =	ssyncadd.s32 $0xFFFFC000  }
0x41: {  	[tilespmem:s16], [sflag:$0x1] =	stream.indirect.gather [hbm4b:s4+s15], $0x80, s23, s15, $0xb8;
	[tilespmem:$0x18800] =	vst v63  }
0x42: {  	_ =	swait.ge [sflag:s12], $0x4000  }
0x43: {  	[sflag:s12] =	ssyncset.done $0x0  }
0x44: {  	[sflag:s12] =	ssyncadd.s32 $0xFFFFC000  }
0x45: {  	[spmem:s2] =	stream.indirect.scatter.add.f32 [tilespmem:s16], [sflag:$0x1], $0x80, s24, s15, $0xb8;
	[tilespmem:$0x18800] =	vst v63  }
0x46: {  	_ =	swait.ge [sflag:s12], $0x4000  }
0x47: {  	[sflag:s12] =	ssyncset.done $0x0  }
0x48: {  	[sflag:s12] =	ssyncadd.s32 $0xFFFFC000  }
0x49: {  	[tilespmem:s16], [sflag:$0x1] =	stream.indirect.gather [hbm4b:s4+s15], $0x80, s25, s15, $0xb8;
	[tilespmem:$0x18800] =	vst v63  }
0x4a: {  	_ =	swait.ge [sflag:s12], $0x4000  }
0x4b: {  	[sflag:s12] =	ssyncset.done $0x0  }
0x4c: {  	[sflag:s12] =	ssyncadd.s32 $0xFFFFC000  }
0x4d: {  	[spmem:s2] =	stream.indirect.scatter.add.f32 [tilespmem:s16], [sflag:$0x1], $0x80, s26, s15, $0xb8;
	[tilespmem:$0x18800] =	vst v63  }
0x4e: {  	_ =	swait.ge [sflag:s12], $0x4000  }
0x4f: {  	[sflag:s12] =	ssyncset.done $0x0  }
0x50: {  	[sflag:s12] =	ssyncadd.s32 $0xFFFFC000  }
0x51: {  	[tilespmem:s16], [sflag:$0x1] =	stream.indirect.gather [hbm4b:s4+s15], $0x80, s28, s15, $0xb8;
	[tilespmem:$0x18800] =	vst v63  }
0x52: {  	_ =	swait.ge [sflag:s12], $0x4000  }
0x53: {  	[sflag:s12] =	ssyncset.done $0x0  }
0x54: {  	[sflag:s12] =	ssyncadd.s32 $0xFFFFC000  }
0x55: {  	[spmem:s2] =	stream.indirect.scatter.add.f32 [tilespmem:s16], [sflag:$0x1], $0x80, s29, s15, $0xb8;
	[tilespmem:$0x18800] =	vst v63  }
0x56: {  	_ =	swait.ge [sflag:s12], $0x4000  }
0x57: {  	[sflag:s12] =	ssyncset.done $0x0  }
0x58: {  	[sflag:s12] =	ssyncadd.s32 $0xFFFFC000  }
0x59: {  	[tilespmem:s16], [sflag:$0x1] =	stream.indirect.gather [hbm4b:s4+s15], $0x80, s30, s15, $0xb8;
	[tilespmem:$0x18800] =	vst v63  }
0x5a: {  	_ =	swait.ge [sflag:s12], $0x4000  }
0x5b: {  	[sflag:s12] =	ssyncset.done $0x0  }
0x5c: {  	[sflag:s12] =	ssyncadd.s32 $0xFFFFC000  }
0x5d: {  	[spmem:s2] =	stream.indirect.scatter.add.f32 [tilespmem:s16], [sflag:$0x1], $0x80, s31, s15, $0xb8;
	[tilespmem:$0x18800] =	vst v63  }
0x5e: {  	s11 =	smov.u32 s6;
	_ =	swait.ge [sflag:s12], $0x4000  }
0x5f: {  	s0 =	simm.s32 $0x80;
	s5 =	simm.s32 $0x100;
	[sflag:s12] =	ssyncset.done $0x0  }
.LBB2_2:
0x60: {  	s8 =	sadd.s32 s0, s10  }
0x61: {  	[sflag:s12] =	ssyncadd.s32 $0xFFFFC000;
	s6 =	smov.u32 s5;
	s7 =	sadd.s32 $0x80, s5  }
0x62: {  	[tilespmem:s13], [sflag:$0x1] =	stream.linear.gather [hbm4b:s8+s3], $0x400, $0x38;
	[tilespmem:$0x18800] =	vst v63  }
0x63: {  	p0 =	sne.s32 s5, $0x480;
	_ =	swait.ge [sflag:s12], $0x400  }
0x64: {  	[sflag:s12] =	ssyncset.done $0x0  }
0x65: {  	s5 =	sadd.s32 s0, s9;
	s0 =	smov.u32 s6;
	[sflag:s12] =	ssyncadd.s32 $0xFFFFFC00  }
0x66: {  	[tilespmem:s14], [sflag:$0x1] =	stream.linear.gather [hbm4b:s5+s3], $0x400, $0x38;
	[tilespmem:$0x18800] =	vst v63  }
0x67: {  	_ =	swait.ge [sflag:s12], $0x400  }
0x68: {  	[sflag:s12] =	ssyncset.done $0x0  }
0x69: {  	[sflag:s12] =	ssyncadd.s32 $0xFFFFFC00  }
0x6a: {  	[tilespmem:s16], [sflag:$0x1] =	stream.indirect.gather [hbm4b:s4+s15], $0x80, s13, s15, $0xb8;
	[tilespmem:$0x18800] =	vst v63  }
0x6b: {  	_ =	swait.ge [sflag:s12], $0x4000  }
0x6c: {  	[sflag:s12] =	ssyncset.done $0x0  }
0x6d: {  	[sflag:s12] =	ssyncadd.s32 $0xFFFFC000  }
0x6e: {  	[spmem:s2] =	stream.indirect.scatter.add.f32 [tilespmem:s16], [sflag:$0x1], $0x80, s14, s15, $0xb8;
	[tilespmem:$0x18800] =	vst v63  }
0x6f: {  	_ =	swait.ge [sflag:s12], $0x4000  }
0x70: {  	[sflag:s12] =	ssyncset.done $0x0  }
0x71: {  	[sflag:s12] =	ssyncadd.s32 $0xFFFFC000  }
0x72: {  	[tilespmem:s16], [sflag:$0x1] =	stream.indirect.gather [hbm4b:s4+s15], $0x80, s17, s15, $0xb8;
	[tilespmem:$0x18800] =	vst v63  }
0x73: {  	_ =	swait.ge [sflag:s12], $0x4000  }
0x74: {  	[sflag:s12] =	ssyncset.done $0x0  }
0x75: {  	[sflag:s12] =	ssyncadd.s32 $0xFFFFC000  }
0x76: {  	[spmem:s2] =	stream.indirect.scatter.add.f32 [tilespmem:s16], [sflag:$0x1], $0x80, s18, s15, $0xb8;
	[tilespmem:$0x18800] =	vst v63  }
0x77: {  	_ =	swait.ge [sflag:s12], $0x4000  }
0x78: {  	[sflag:s12] =	ssyncset.done $0x0  }
0x79: {  	[sflag:s12] =	ssyncadd.s32 $0xFFFFC000  }
0x7a: {  	[tilespmem:s16], [sflag:$0x1] =	stream.indirect.gather [hbm4b:s4+s15], $0x80, s19, s15, $0xb8;
	[tilespmem:$0x18800] =	vst v63  }
0x7b: {  	_ =	swait.ge [sflag:s12], $0x4000  }
0x7c: {  	[sflag:s12] =	ssyncset.done $0x0  }
0x7d: {  	[sflag:s12] =	ssyncadd.s32 $0xFFFFC000  }
0x7e: {  	[spmem:s2] =	stream.indirect.scatter.add.f32 [tilespmem:s16], [sflag:$0x1], $0x80, s20, s15, $0xb8;
	[tilespmem:$0x18800] =	vst v63  }
0x7f: {  	_ =	swait.ge [sflag:s12], $0x4000  }
0x80: {  	[sflag:s12] =	ssyncset.done $0x0  }
0x81: {  	[sflag:s12] =	ssyncadd.s32 $0xFFFFC000  }
0x82: {  	[tilespmem:s16], [sflag:$0x1] =	stream.indirect.gather [hbm4b:s4+s15], $0x80, s21, s15, $0xb8;
	[tilespmem:$0x18800] =	vst v63  }
0x83: {  	_ =	swait.ge [sflag:s12], $0x4000  }
0x84: {  	[sflag:s12] =	ssyncset.done $0x0  }
0x85: {  	[sflag:s12] =	ssyncadd.s32 $0xFFFFC000  }
0x86: {  	[spmem:s2] =	stream.indirect.scatter.add.f32 [tilespmem:s16], [sflag:$0x1], $0x80, s22, s15, $0xb8;
	[tilespmem:$0x18800] =	vst v63  }
0x87: {  	_ =	swait.ge [sflag:s12], $0x4000  }
0x88: {  	[sflag:s12] =	ssyncset.done $0x0  }
0x89: {  	[sflag:s12] =	ssyncadd.s32 $0xFFFFC000  }
0x8a: {  	[tilespmem:s16], [sflag:$0x1] =	stream.indirect.gather [hbm4b:s4+s15], $0x80, s23, s15, $0xb8;
	[tilespmem:$0x18800] =	vst v63  }
0x8b: {  	_ =	swait.ge [sflag:s12], $0x4000  }
0x8c: {  	[sflag:s12] =	ssyncset.done $0x0  }
0x8d: {  	[sflag:s12] =	ssyncadd.s32 $0xFFFFC000  }
0x8e: {  	[spmem:s2] =	stream.indirect.scatter.add.f32 [tilespmem:s16], [sflag:$0x1], $0x80, s24, s15, $0xb8;
	[tilespmem:$0x18800] =	vst v63  }
0x8f: {  	_ =	swait.ge [sflag:s12], $0x4000  }
0x90: {  	[sflag:s12] =	ssyncset.done $0x0  }
0x91: {  	[sflag:s12] =	ssyncadd.s32 $0xFFFFC000  }
0x92: {  	[tilespmem:s16], [sflag:$0x1] =	stream.indirect.gather [hbm4b:s4+s15], $0x80, s25, s15, $0xb8;
	[tilespmem:$0x18800] =	vst v63  }
0x93: {  	_ =	swait.ge [sflag:s12], $0x4000  }
0x94: {  	[sflag:s12] =	ssyncset.done $0x0  }
0x95: {  	[sflag:s12] =	ssyncadd.s32 $0xFFFFC000  }
0x96: {  	[spmem:s2] =	stream.indirect.scatter.add.f32 [tilespmem:s16], [sflag:$0x1], $0x80, s26, s15, $0xb8;
	[tilespmem:$0x18800] =	vst v63  }
0x97: {  	_ =	swait.ge [sflag:s12], $0x4000  }
0x98: {  	[sflag:s12] =	ssyncset.done $0x0  }
0x99: {  	[sflag:s12] =	ssyncadd.s32 $0xFFFFC000  }
0x9a: {  	[tilespmem:s16], [sflag:$0x1] =	stream.indirect.gather [hbm4b:s4+s15], $0x80, s28, s15, $0xb8;
	[tilespmem:$0x18800] =	vst v63  }
0x9b: {  	_ =	swait.ge [sflag:s12], $0x4000  }
0x9c: {  	[sflag:s12] =	ssyncset.done $0x0  }
0x9d: {  	[sflag:s12] =	ssyncadd.s32 $0xFFFFC000  }
0x9e: {  	[spmem:s2] =	stream.indirect.scatter.add.f32 [tilespmem:s16], [sflag:$0x1], $0x80, s29, s15, $0xb8;
	[tilespmem:$0x18800] =	vst v63  }
0x9f: {  	_ =	swait.ge [sflag:s12], $0x4000  }
0xa0: {  	[sflag:s12] =	ssyncset.done $0x0  }
0xa1: {  	[sflag:s12] =	ssyncadd.s32 $0xFFFFC000  }
0xa2: {  	[tilespmem:s16], [sflag:$0x1] =	stream.indirect.gather [hbm4b:s4+s15], $0x80, s30, s15, $0xb8;
	[tilespmem:$0x18800] =	vst v63  }
0xa3: {  	_ =	swait.ge [sflag:s12], $0x4000  }
.Ltmp0:
0xa4: {  	[sflag:s12] =	ssyncset.done $0x0;
	(pc) =	sbr.rel @p0 .LBB2_2-.Ltmp0, $4  }
0xa5: {  	[sflag:s12] =	ssyncadd.s32 $0xFFFFC000  }
0xa6: {  	[spmem:s2] =	stream.indirect.scatter.add.f32 [tilespmem:s16], [sflag:$0x1], $0x80, s31, s15, $0xb8;
	[tilespmem:$0x18800] =	vst v63  }
0xa7: {  	_ =	swait.ge [sflag:s12], $0x4000  }
0xa8: {  	s5 =	smov.u32 s7;
	[sflag:s12] =	ssyncset.done $0x0  }
0xa9: {  	s5 =	sadd.s32 s0, s10;
	[sflag:s12] =	ssyncadd.s32 $0xFFFFC000  }
0xaa: {  	[tilespmem:s13], [sflag:$0x1] =	stream.linear.gather [hbm4b:s5+s3], $0x400, $0x38;
	[tilespmem:$0x18800] =	vst v63  }
0xab: {  	_ =	swait.ge [sflag:s12], $0x400  }
0xac: {  	[sflag:s12] =	ssyncset.done $0x0  }
0xad: {  	s7 =	sadd.s32 s0, s9;
	[sflag:s12] =	ssyncadd.s32 $0xFFFFFC00  }
0xae: {  	[tilespmem:s14], [sflag:$0x1] =	stream.linear.gather [hbm4b:s7+s3], $0x400, $0x38;
	[tilespmem:$0x18800] =	vst v63  }
0xaf: {  	_ =	swait.ge [sflag:s12], $0x400  }
0xb0: {  	[sflag:s12] =	ssyncset.done $0x0  }
0xb1: {  	[sflag:s12] =	ssyncadd.s32 $0xFFFFFC00  }
0xb2: {  	[tilespmem:s16], [sflag:$0x1] =	stream.indirect.gather [hbm4b:s4+s15], $0x80, s13, s15, $0xb8;
	[tilespmem:$0x18800] =	vst v63  }
0xb3: {  	_ =	swait.ge [sflag:s12], $0x4000  }
0xb4: {  	[sflag:s12] =	ssyncset.done $0x0  }
0xb5: {  	[sflag:s12] =	ssyncadd.s32 $0xFFFFC000  }
0xb6: {  	[spmem:s2] =	stream.indirect.scatter.add.f32 [tilespmem:s16], [sflag:$0x1], $0x80, s14, s15, $0xb8;
	[tilespmem:$0x18800] =	vst v63  }
0xb7: {  	_ =	swait.ge [sflag:s12], $0x4000  }
0xb8: {  	[sflag:s12] =	ssyncset.done $0x0  }
0xb9: {  	[sflag:s12] =	ssyncadd.s32 $0xFFFFC000  }
0xba: {  	[tilespmem:s16], [sflag:$0x1] =	stream.indirect.gather [hbm4b:s4+s15], $0x80, s17, s15, $0xb8;
	[tilespmem:$0x18800] =	vst v63  }
0xbb: {  	_ =	swait.ge [sflag:s12], $0x4000  }
0xbc: {  	[sflag:s12] =	ssyncset.done $0x0  }
0xbd: {  	[sflag:s12] =	ssyncadd.s32 $0xFFFFC000  }
0xbe: {  	[spmem:s2] =	stream.indirect.scatter.add.f32 [tilespmem:s16], [sflag:$0x1], $0x80, s18, s15, $0xb8;
	[tilespmem:$0x18800] =	vst v63  }
0xbf: {  	_ =	swait.ge [sflag:s12], $0x4000  }
0xc0: {  	[sflag:s12] =	ssyncset.done $0x0  }
0xc1: {  	[sflag:s12] =	ssyncadd.s32 $0xFFFFC000  }
0xc2: {  	[tilespmem:s16], [sflag:$0x1] =	stream.indirect.gather [hbm4b:s4+s15], $0x80, s19, s15, $0xb8;
	[tilespmem:$0x18800] =	vst v63  }
0xc3: {  	_ =	swait.ge [sflag:s12], $0x4000  }
0xc4: {  	[sflag:s12] =	ssyncset.done $0x0  }
0xc5: {  	[sflag:s12] =	ssyncadd.s32 $0xFFFFC000  }
0xc6: {  	[spmem:s2] =	stream.indirect.scatter.add.f32 [tilespmem:s16], [sflag:$0x1], $0x80, s20, s15, $0xb8;
	[tilespmem:$0x18800] =	vst v63  }
0xc7: {  	_ =	swait.ge [sflag:s12], $0x4000  }
0xc8: {  	[sflag:s12] =	ssyncset.done $0x0  }
0xc9: {  	[sflag:s12] =	ssyncadd.s32 $0xFFFFC000  }
0xca: {  	[tilespmem:s16], [sflag:$0x1] =	stream.indirect.gather [hbm4b:s4+s15], $0x80, s21, s15, $0xb8;
	[tilespmem:$0x18800] =	vst v63  }
0xcb: {  	_ =	swait.ge [sflag:s12], $0x4000  }
0xcc: {  	[sflag:s12] =	ssyncset.done $0x0  }
0xcd: {  	[sflag:s12] =	ssyncadd.s32 $0xFFFFC000  }
0xce: {  	[spmem:s2] =	stream.indirect.scatter.add.f32 [tilespmem:s16], [sflag:$0x1], $0x80, s22, s15, $0xb8;
	[tilespmem:$0x18800] =	vst v63  }
0xcf: {  	_ =	swait.ge [sflag:s12], $0x4000  }
0xd0: {  	[sflag:s12] =	ssyncset.done $0x0  }
0xd1: {  	[sflag:s12] =	ssyncadd.s32 $0xFFFFC000  }
0xd2: {  	[tilespmem:s16], [sflag:$0x1] =	stream.indirect.gather [hbm4b:s4+s15], $0x80, s23, s15, $0xb8;
	[tilespmem:$0x18800] =	vst v63  }
0xd3: {  	_ =	swait.ge [sflag:s12], $0x4000  }
0xd4: {  	[sflag:s12] =	ssyncset.done $0x0  }
0xd5: {  	[sflag:s12] =	ssyncadd.s32 $0xFFFFC000  }
0xd6: {  	[spmem:s2] =	stream.indirect.scatter.add.f32 [tilespmem:s16], [sflag:$0x1], $0x80, s24, s15, $0xb8;
	[tilespmem:$0x18800] =	vst v63  }
0xd7: {  	_ =	swait.ge [sflag:s12], $0x4000  }
0xd8: {  	[sflag:s12] =	ssyncset.done $0x0  }
0xd9: {  	[sflag:s12] =	ssyncadd.s32 $0xFFFFC000  }
0xda: {  	[tilespmem:s16], [sflag:$0x1] =	stream.indirect.gather [hbm4b:s4+s15], $0x80, s25, s15, $0xb8;
	[tilespmem:$0x18800] =	vst v63  }
0xdb: {  	_ =	swait.ge [sflag:s12], $0x4000  }
0xdc: {  	[sflag:s12] =	ssyncset.done $0x0  }
0xdd: {  	[sflag:s12] =	ssyncadd.s32 $0xFFFFC000  }
0xde: {  	[spmem:s2] =	stream.indirect.scatter.add.f32 [tilespmem:s16], [sflag:$0x1], $0x80, s26, s15, $0xb8;
	[tilespmem:$0x18800] =	vst v63  }
0xdf: {  	_ =	swait.ge [sflag:s12], $0x4000  }
0xe0: {  	[sflag:s12] =	ssyncset.done $0x0  }
0xe1: {  	[sflag:s12] =	ssyncadd.s32 $0xFFFFC000  }
0xe2: {  	[tilespmem:s16], [sflag:$0x1] =	stream.indirect.gather [hbm4b:s4+s15], $0x80, s28, s15, $0xb8;
	[tilespmem:$0x18800] =	vst v63  }
0xe3: {  	_ =	swait.ge [sflag:s12], $0x4000  }
0xe4: {  	[sflag:s12] =	ssyncset.done $0x0  }
0xe5: {  	[sflag:s12] =	ssyncadd.s32 $0xFFFFC000  }
0xe6: {  	[spmem:s2] =	stream.indirect.scatter.add.f32 [tilespmem:s16], [sflag:$0x1], $0x80, s29, s15, $0xb8;
	[tilespmem:$0x18800] =	vst v63  }
0xe7: {  	_ =	swait.ge [sflag:s12], $0x4000  }
0xe8: {  	[sflag:s12] =	ssyncset.done $0x0  }
0xe9: {  	[sflag:s12] =	ssyncadd.s32 $0xFFFFC000  }
0xea: {  	[tilespmem:s16], [sflag:$0x1] =	stream.indirect.gather [hbm4b:s4+s15], $0x80, s30, s15, $0xb8;
	[tilespmem:$0x18800] =	vst v63  }
0xeb: {  	_ =	swait.ge [sflag:s12], $0x4000  }
0xec: {  	[sflag:s12] =	ssyncset.done $0x0  }
0xed: {  	[sflag:s12] =	ssyncadd.s32 $0xFFFFC000  }
0xee: {  	[spmem:s2] =	stream.indirect.scatter.add.f32 [tilespmem:s16], [sflag:$0x1], $0x80, s31, s15, $0xb8;
	[tilespmem:$0x18800] =	vst v63  }
0xef: {  	_ =	swait.ge [sflag:s12], $0x4000  }
0xf0: {  	[sflag:s12] =	ssyncset.done $0x0  }
0xf1: {  	[sflag:s12] =	ssyncadd.s32 $0xFFFFC000  }
0xf2: {  	[bflag:$0x0] =	sbarrier.arrive $0xFFFF  }
0xf3: {  	s8 =	rddreg [dreg:$0x4]  }
0xf4: {  	s5 =	rddreg [dreg:$0x6]  }
0xf5: {  	[hbm:s8], [sflag:s11] =	dma.local [spmem:s5], $0x2800  }
0xf6: {  	_ =	swait.ge [sflag:s12], $0x2800  }
0xf7: {  	s6 =	smov.u32 s11;
	s1 =	sadd.s32 $0x1, s1;
	s11 =	rddreg [dreg:$0x5]  }
0xf8: {  	p0 =	sne.s32 s1, s11  }
.Ltmp1:
0xf9: {  	_ = 	snop;
	(pc) =	sbr.rel @p0 .LBB2_1-.Ltmp1, $3  }
0xfa: {  	_ =	sdelay $0x1  }
0xfb: {  	[sflag:s12] =	ssyncset.done $0x0  }
0xfc: {  	[sflag:s12] =	ssyncadd.s32 $0xFFFFD800  }
0xfd: {  	_ =	sfence.sel $0x180000  }
0xfe: {  	[bflag:$0x0] =	sbarrier.arrive $0xFFFF  }
0xff: {  	_ =	strace $0x90000047  }
0x100: {  	s0 =	stileid.u32;
	[bflag:$0x2] =	sbarrier.arrive $0xFFFF  }
0x101: {  	p0 =	sne.s32 s0, $0x0;
	s0 =	rddreg [dreg:$0x2]  }
0x102: {  	s0 =	sadd.s32 @!p0 $0x100000, s0  }
0x103: {  	[sflag:s0] =	ssyncadd.tile.s32 @!p0 $0x1;
	_ =	shalt  }
.Lfunc_end2:
_tile_overlayer_lowered:
.L_overlay_start_2:
0x104: {  	(tag) =	ssettag $0x2  }
0x105: {  	s0 =	rddreg [dreg:$0x0];
	s2 =	stileid.u32  }
0x106: {  	s1 =	rddreg [dreg:$0x1];
	p0 =	sne.s32 s2, $0x0  }
0x107: {  	s3 =	rddreg [dreg:$0x2];
	[bflag:$0x3] =	sbarrier.arrive $0xFFFF;
	s2 =	simm.s32 @!p0 $0x1C01  }
0x108: {  	[timem:s3], [sflag:s2] =	dma.local @!p0 [hbm:s0], s1  }
0x109: {  	s0 =	simm.s32 @!p0 $0x1  }
0x10a: {  	_ =	swait.ge @!p0 [sflag:s0], s1  }
0x10b: {  	s1 =	ssub.s32 @!p0 $0x0, s1;
	[sflag:s0] =	ssyncset.done @!p0 $0x0  }
0x10c: {  	[sflag:s0] =	ssyncadd.s32 @!p0 s1  }
0x10d: {  	[bflag:$0x3] =	sbarrier.arrive $0xFFFF  }
0x10e: {  	_ =	shalt  }

// kernel: kernel.15.cloned.1.call-start
scs
__scs_entry_jumppad:
0x0: {  	(pc) =	sbr.rel $0x88, $3  }
0x1: {  	(tag) =	ssettag $0x0;
	lr =	simm.s32 $0x1  }
0x2: {  	[smem:$0x3F95] =	sst lr;
	_ =	strace $0xD0000000  }
0x3: {  	_ = 	snop  }
0x4: {  	_ = 	snop  }
0x5: {  	_ = 	snop  }
0x6: {  	_ = 	snop  }
0x7: {  	_ = 	snop  }
__scs_overlays_trampoline_lowered:
0x8: {  	[smem:$0x3FA4] =	sst s0  }
0x9: {  	[smem:$0x3FA5] =	sst s1  }
0xa: {  	[smem:$0x3FA6] =	sst s2  }
0xb: {  	[smem:$0x3FA7] =	sst s3  }
0xc: {  	[smem:$0x3FA8] =	sst s4  }
0xd: {  	[smem:$0x3FA9] =	sst s5  }
0xe: {  	[smem:$0x3FAA] =	sst s6  }
0xf: {  	[smem:$0x3FAB] =	sst s7  }
0x10: {  	[smem:$0x3FAC] =	sst s8  }
0x11: {  	[smem:$0x3FAD] =	sst s9;
	s0 =	simm.s32 @!p0 $0x0  }
0x12: {  	s1 =	sld [smem:$0x3F93];
	s0 =	simm.s32 @p0 $0x1  }
0x13: {  	[smem:$0x3FAE] =	sst s0;
	s0 =	simm.s32 @!p1 $0x0  }
0x14: {  	s2 =	sld [smem:$0x3F92];
	s0 =	simm.s32 @p1 $0x1  }
0x15: {  	[smem:$0x3FAF] =	sst s0;
	s0 =	simm.s32 @!p2 $0x0  }
0x16: {  	s3 =	sld [smem:$0x3FDB];
	s0 =	simm.s32 @p2 $0x1  }
0x17: {  	s4 =	simm.s32 $0x1BF5;
	[smem:$0x3FB1] =	sst s0  }
0x18: {  	s0 =	sld [smem:$0x3F94];
	_ =	swait.ge [sflag:s4], $0x0  }
0x19: {  	s7 =	sld [smem:$0x3F95]  }
0x1a: {  	s8 =	sadd.s32 $0xFFFFE003, lr  }
0x1b: {  	s9 =	sadd.s32 $0xFFFFFEF7, lr;
	s5 =	simm.s32 $0xFFFFFFFF;
	p2 =	slt.u32 s8, $0xFFFFF086  }
0x1c: {  	p1 =	slt.u32 s9, $0xF7A;
	s5 =	simm.s32 @!p2 $0x0  }
0x1d: {  	s5 =	simm.s32 @p1 $0x1;
	p0 =	seq.s32 s7, s2  }
0x1e: {  	s7 =	smul.u32 @!p0 $0xF7A, s2;
	p2 =	seq.s32 @!p0 s5, $0x0  }
0x1f: {  	s9 =	smul.u32 $0xF7A, s1;
	s8 =	simm.s32 @!p0 $0x1BF5;
	p2 =	por !p2, p0  }
0x20: {  	[sflag:s8] =	ssyncset.s32 @!p0 $0xFFFFF086;
	s6 =	sadd.s32 @!p0 s3, s7;
	s7 =	simm.s32 @!p0 $0x108  }
0x21: {  	s3 =	sadd.s32 s3, s9;
	s6 =	sadd.s32 @!p0 $0x88, s6;
	s7 =	simm.s32 @p2 $0x1082  }
0x22: {  	[simem:s7], [sflag:s8] =	dma.local @!p0 [hbm:s6], $0xF7A  }
0x23: {  	s9 =	sor.u32 $0xD0000000, s2;
	s6 =	simm.s32 $0x108;
	_ =	swait.ge @!p0 [sflag:s8], $0x0  }
0x24: {  	s3 =	sadd.s32 $0x88, s3;
	s6 =	simm.s32 @!p1 $0x1082;
	[sflag:s4] =	ssyncset.s32 $0xFFFFF086  }
0x25: {  	[simem:s6], [sflag:s4] =	dma.local [hbm:s3], $0xF7A  }
0x26: {  	[smem:$0x3F95] =	sst s1;
	(tag) =	ssettag s2;
	_ =	strace s9  }
0x27: {  	s1 =	sld [smem:$0x3FA5]  }
0x28: {  	s2 =	sld [smem:$0x3FA6]  }
0x29: {  	s4 =	sld [smem:$0x3FA8]  }
0x2a: {  	p0 =	seq.s32 s5, $0x0;
	s5 =	sld [smem:$0x3FA9]  }
0x2b: {  	s6 =	sld [smem:$0x3FAA]  }
0x2c: {  	s7 =	sld [smem:$0x3FAB]  }
0x2d: {  	s3 =	simm.s32 $0x108;
	s8 =	sld [smem:$0x3FAC]  }
0x2e: {  	s3 =	simm.s32 @!p0 $0x1082;
	s9 =	sld [smem:$0x3FAD]  }
0x2f: {  	lr =	sadd.s32 s0, s3;
	s0 =	sld [smem:$0x3FA4]  }
0x30: {  	s3 =	sld [smem:$0x3FA7]  }
0x31: {  	[smem:$0x3FB0] =	sst s10  }
0x32: {  	s10 =	sld [smem:$0x3FAE];
	_ =	sdelay $0x3  }
0x33: {  	p0 =	seq.s32 s10, $0x1;
	s10 =	sld [smem:$0x3FB0];
	_ =	sdelay $0x3  }
0x34: {  	[smem:$0x3FB0] =	sst s10  }
0x35: {  	s10 =	sld [smem:$0x3FAF];
	_ =	sdelay $0x3  }
0x36: {  	p1 =	seq.s32 s10, $0x1;
	s10 =	sld [smem:$0x3FB0];
	_ =	sdelay $0x3  }
0x37: {  	[smem:$0x3FB0] =	sst s10  }
0x38: {  	s10 =	sld [smem:$0x3FB1]  }
0x39: {  	_ = 	snop;
	(pc) =	sbr.ind lr, $3  }
0x3a: {  	_ = 	snop  }
0x3b: {  	_ = 	snop  }
0x3c: {  	p2 =	seq.s32 s10, $0x1;
	s10 =	sld [smem:$0x3FB0]  }
0x3d: {  	_ =	shalt  }
0x3e: {  	_ =	shalt  }
0x3f: {  	_ =	shalt  }
0x40: {  	_ =	shalt  }
0x41: {  	_ =	shalt  }
0x42: {  	_ =	shalt  }
0x43: {  	_ =	shalt  }
0x44: {  	_ =	shalt  }
0x45: {  	_ =	shalt  }
0x46: {  	_ =	shalt  }
0x47: {  	_ =	shalt  }
0x48: {  	_ =	shalt  }
0x49: {  	_ =	shalt  }
0x4a: {  	_ =	shalt  }
0x4b: {  	_ =	shalt  }
0x4c: {  	_ =	shalt  }
0x4d: {  	_ =	shalt  }
0x4e: {  	_ =	shalt  }
0x4f: {  	_ =	shalt  }
0x50: {  	_ =	shalt  }
0x51: {  	_ =	shalt  }
0x52: {  	_ =	shalt  }
0x53: {  	_ =	shalt  }
0x54: {  	_ =	shalt  }
0x55: {  	_ =	shalt  }
0x56: {  	_ =	shalt  }
0x57: {  	_ =	shalt  }
0x58: {  	_ =	shalt  }
0x59: {  	_ =	shalt  }
0x5a: {  	_ =	shalt  }
0x5b: {  	_ =	shalt  }
0x5c: {  	_ =	shalt  }
0x5d: {  	_ =	shalt  }
0x5e: {  	_ =	shalt  }
0x5f: {  	_ =	shalt  }
0x60: {  	_ =	shalt  }
0x61: {  	_ =	shalt  }
0x62: {  	_ =	shalt  }
0x63: {  	_ =	shalt  }
0x64: {  	_ =	shalt  }
0x65: {  	_ =	shalt  }
0x66: {  	_ =	shalt  }
0x67: {  	_ =	shalt  }
0x68: {  	_ =	shalt  }
0x69: {  	_ =	shalt  }
0x6a: {  	_ =	shalt  }
0x6b: {  	_ =	shalt  }
0x6c: {  	_ =	shalt  }
0x6d: {  	_ =	shalt  }
0x6e: {  	_ =	shalt  }
0x6f: {  	_ =	shalt  }
0x70: {  	_ =	shalt  }
0x71: {  	_ =	shalt  }
0x72: {  	_ =	shalt  }
0x73: {  	_ =	shalt  }
0x74: {  	_ =	shalt  }
0x75: {  	_ =	shalt  }
0x76: {  	_ =	shalt  }
0x77: {  	_ =	shalt  }
0x78: {  	_ =	shalt  }
0x79: {  	_ =	shalt  }
0x7a: {  	_ =	shalt  }
0x7b: {  	_ =	shalt  }
0x7c: {  	_ =	shalt  }
0x7d: {  	_ =	shalt  }
0x7e: {  	_ =	shalt  }
0x7f: {  	_ =	shalt  }
0x80: {  	_ =	shalt  }
0x81: {  	_ =	shalt  }
0x82: {  	_ =	shalt  }
0x83: {  	_ =	shalt  }
0x84: {  	_ =	shalt  }
0x85: {  	_ =	shalt  }
0x86: {  	_ =	shalt  }
0x87: {  	_ =	shalt  }
.Lfunc_end0:
.L_simem_size_0:
called_computation.2_lowered:
.L_overlay_start_0:
0x88: {  	s2 =	sld [smem:$0x3FD9]  }
0x89: {  	s3 =	sld [smem:$0x3FFE];
	_ =	sdelay $0x1  }
0x8a: {  	s1 =	srdreg.scid  }
0x8b: {  	s0 =	sand.u32 $0x1, s1  }
0x8c: {  	s16 =	sshll.u32 s0, $0xA;
	s2 =	sadd.s32 s3, s2  }
0x8d: {  	s2 =	sadd.s32 s2, s16  }
0x8e: {  	[smem:$0x3FBC] =	sst s2  }
0x8f: {  	_ = 	snop  }
0x90: {  	(tm) =	ssettm $0x1  }
0x91: {  	s17 =	sld [smem:$0x3FFB];
	_ =	sdelay $0x3  }
0x92: {  	_ =	strace s17  }
0x93: {  	s2 =	sld [smem:$0x3FFC];
	_ =	sdelay $0x3  }
0x94: {  	_ =	strace s2  }
0x95: {  	s2 =	sld [smem:$0x3FFD];
	_ =	sdelay $0x3  }
0x96: {  	_ =	strace s2  }
0x97: {  	_ =	strace $0x8FFFFFFF  }
0x98: {  	s18 =	sld [smem:$0x3FDB];
	_ =	sdelay $0x1  }
0x99: {  	s19 =	simm.s32 $_scs_section_size  }
0x9a: {  	s4 =	simm.s32 $_size__tile_overlayer_lowered;
	s5 =	simm.s32 $_tile_overlayer_lowered  }
0x9b: {  	s22 =	simm.s32 $0x1BFF;
	s21 =	sshll.u32 s5, $0x1;
	s2 =	sadd.s32 s19, s18  }
0x9c: {  	s6 =	simm.s32 $0x0;
	s20 =	sshll.u32 s4, $0x1;
	s4 =	sadd.s32 s21, s2  }
0x9d: {  	[timem:s6], [sflag:s22] =	dma.local [hbm:s4], s20  }
0x9e: {  	_ =	swait.ge [sflag:s22], s20  }
0x9f: {  	s3 =	ssub.s32 $0x0, s20;
	[sflag:s22] =	ssyncset.done $0x0  }
0xa0: {  	[sflag:s22] =	ssyncadd.s32 s3;
	_ =	sdelay $0x1  }
0xa1: {  	s23 =	simm.s32 $0x1B8B  }
0xa2: {  	_ =	swait.ge [sflag:s23], $0x1  }
0xa3: {  	[sflag:s23] =	ssyncset.done $0x0  }
0xa4: {  	s25 =	simm.s32 $0x1B8E;
	s24 =	sld [smem:$0x3FFE];
	[sflag:s23] =	ssyncadd.s32 $0xFFFFFFFF  }
0xa5: {  	s26 =	simm.s32 $execute0_lowered;
	[smem:$0x3FD2] =	sst s25  }
0xa6: {  	s4 =	sshll.u32 s26, $0x1;
	_ =	strace $0x8000004C;
	[dreg:$0x1] =	wrdreg $0xFFFFFFFF  }
0xa7: {  	s28 =	simm.s32 $_size_execute0_lowered;
	s2 =	sadd.s32 s2, s4;
	[dreg:$0x0] =	wrdreg $0x0  }
0xa8: {  	s4 =	sshll.u32 s28, $0x1;
	[dreg:$0x2] =	wrdreg s2  }
0xa9: {  	[dreg:$0x3] =	wrdreg s4  }
0xaa: {  	[dreg:$0x4] =	wrdreg $0xC0  }
0xab: {  	_ =	task [dreg:s6], $0x5FFFF  }
0xac: {  	[dreg:$0x1] =	wrdreg $0xFFFFFFFF  }
0xad: {  	[dreg:$0x0] =	wrdreg $0x60  }
0xae: {  	[dreg:$0x2] =	wrdreg s24  }
0xaf: {  	[dreg:$0x3] =	wrdreg $0x0  }
0xb0: {  	[dreg:$0x4] =	wrdreg $0x9  }
0xb1: {  	_ =	task.clear_ibuf [dreg:s6], $0x5FFFF;
	_ =	strace $0x9000004C  }
0xb2: {  	s29 =	simm.s32 $0x9;
	_ =	strace $0x8000004E  }
0xb3: {  	_ =	swait.ge [sflag:s29], $0x1  }
0xb4: {  	[sflag:s29] =	ssyncadd.s32 $0xFFFFFFFF  }
0xb5: {  	_ =	strace $0x9000004E  }
0xb6: {  	_ =	sfence  }
0xb7: {  	s30 =	sld [smem:$0x0];
	_ =	sdelay $0x2  }
0xb8: {  	s31 =	sshll.u32 s1, $0xD;
	s1 =	sshrl.u32 s1, $0x2  }
0xb9: {  	s3 =	sand.u32 $0x4000, s31;
	s1 =	sadd.s32 s1, s30  }
0xba: {  	s0 =	sor.u32 s3, s0;
	s1 =	sshll.u32 s1, $0x11  }
0xbb: {  	s0 =	sor.u32 s1, s0  }
0xbc: {  	s0 =	sadd.s32 $0x8F2B, s0  }
0xbd: {  	[sflag:s0] =	ssyncadd.remote.s32 $0x1  }
0xbe: {  	_ =	sfence.sel $0xFFFF  }
0xbf: {  	[dreg:$0x0] =	wrdreg $0xFFFFFFFF;
	(pc) =	sbr.abs _section_cstart, $3  }
0xc0: {  	[dreg:$0x1] =	wrdreg $0xFFFFFFFF  }
0xc1: {  	_ =	task.clear_ibuf [dreg:s6], $0x2FFFF;
	_ =	strace $0x9FFFFFFF  }
0xc2: {  	(tm) =	ssettm $0x7FFFFFFF  }
0xc3: {  	_ =	shalt  }
tec
execute0_lowered:
.L_overlay_start_1:
0x0: {  	(tag) =	ssettag $0x1  }
0x1: {  	s0 =	srdreg.scid;
	s5 =	rddreg [dreg:$0x0]  }
0x2: {  	s8 =	stileid.u32;
	s2 =	rddreg [dreg:$0x1];
	s3 =	simm.s32 $0x0  }
0x3: {  	s12 =	simm.s32 $0x1;
	s13 =	simm.s32 $0x14000;
	s14 =	simm.s32 $0x14400  }
0x4: {  	s15 =	simm.s32 $0x80;
	s16 =	simm.s32 $0x14800;
	s17 =	simm.s32 $0x14080  }
0x5: {  	s18 =	simm.s32 $0x14480;
	s19 =	simm.s32 $0x14100;
	s20 =	simm.s32 $0x14500  }
0x6: {  	s21 =	simm.s32 $0x14180;
	s22 =	simm.s32 $0x14580;
	s23 =	simm.s32 $0x14200  }
0x7: {  	s28 =	simm.s32 $0x14300;
	s29 =	simm.s32 $0x14700;
	s30 =	simm.s32 $0x14380  }
0x8: {  	s31 =	simm.s32 $0x14780;
	s0 =	sand.u32 $0x1, s0;
	s1 =	smul.u32 $0x2800, s8  }
0x9: {  	[smem:$0x7FF] =	sst s3;
	s6 =	smul.u32 $0x50000, s8;
	s9 =	sadd.s32 $0x3FA00, s5  }
0xa: {  	s26 =	sshll.u32 s8, $0x6;
	s4 =	smul.u32 $0x28000, s0;
	s0 =	ssub.s32 $0x2, s0  }
0xb: {  	_ =	strace $0x8000004D;
	[dreg:$0x3] =	wrdreg s9;
	s24 =	sshrl.u32 s0, $0x1  }
0xc: {  	s25 =	sshrl.u32 s6, $0x2;
	s6 =	sor.u32 $0x1C01, s26;
	s26 =	simm.s32 $0x14680  }
0xd: {  	s1 =	sadd.s32 s1, s4;
	s0 =	ssub.s32 s0, s24;
	s24 =	simm.s32 $0x14600  }
0xe: {  	s4 =	sshrl.u32 s1, $0x3;
	s1 =	sadd.s32 s1, s5;
	s0 =	smax.u32 s0, $0x1  }
0xf: {  	s7 =	sadd.s32 s4, s5;
	s4 =	sadd.s32 $0x17A00, s5;
	s5 =	sadd.s32 s25, s2  }
0x10: {  	s1 =	sadd.s32 $0x92200, s1;
	[dreg:$0x5] =	wrdreg s0;
	s25 =	simm.s32 $0x14280  }
0x11: {  	[dreg:$0x4] =	wrdreg s1;
	s9 =	sadd.s32 $0x3A00, s7;
	s5 =	sshrl.u32 s5, $0x3  }
0x12: {  	s10 =	sadd.s32 $0xDA00, s7;
	s1 =	simm.s32 $0x0;
	[dreg:$0x6] =	wrdreg s5  }
.LBB2_1:
0x13: {  	s0 =	rddreg [dreg:$0x3]  }
0x14: {  	[spmem:s5], [sflag:s6] =	dma.local [hbm:s0], $0x2800  }
0x15: {  	_ =	swait.ge [sflag:s12], $0x2800  }
0x16: {  	[sflag:s12] =	ssyncset.done $0x0  }
0x17: {  	[sflag:s12] =	ssyncadd.s32 $0xFFFFD800  }
0x18: {  	s7 =	sadd.s32 $0x0, s10;
	[bflag:$0x0] =	sbarrier.arrive $0xFFFF  }
0x19: {  	[tilespmem:s13], [sflag:$0x1] =	stream.linear.gather [hbm4b:s7+s3], $0x400, $0x38;
	[tilespmem:$0x18800] =	vst v63  }
0x1a: {  	_ =	swait.ge [sflag:s12], $0x400  }
0x1b: {  	[sflag:s12] =	ssyncset.done $0x0  }
0x1c: {  	s8 =	sadd.s32 $0x0, s9;
	[sflag:s12] =	ssyncadd.s32 $0xFFFFFC00  }
0x1d: {  	[tilespmem:s14], [sflag:$0x1] =	stream.linear.gather [hbm4b:s8+s3], $0x400, $0x38;
	[tilespmem:$0x18800] =	vst v63  }
0x1e: {  	_ =	swait.ge [sflag:s12], $0x400  }
0x1f: {  	[sflag:s12] =	ssyncset.done $0x0  }
0x20: {  	[sflag:s12] =	ssyncadd.s32 $0xFFFFFC00  }
0x21: {  	[tilespmem:s16], [sflag:$0x1] =	stream.indirect.gather [hbm4b:s4+s15], $0x80, s13, s15, $0xb8;
	[tilespmem:$0x18800] =	vst v63  }
0x22: {  	_ =	swait.ge [sflag:s12], $0x4000  }
0x23: {  	[sflag:s12] =	ssyncset.done $0x0  }
0x24: {  	[sflag:s12] =	ssyncadd.s32 $0xFFFFC000  }
0x25: {  	[spmem:s2] =	stream.indirect.scatter.add.f32 [tilespmem:s16], [sflag:$0x1], $0x80, s14, s15, $0xb8;
	[tilespmem:$0x18800] =	vst v63  }
0x26: {  	_ =	swait.ge [sflag:s12], $0x4000  }
0x27: {  	[sflag:s12] =	ssyncset.done $0x0  }
0x28: {  	[sflag:s12] =	ssyncadd.s32 $0xFFFFC000  }
0x29: {  	[tilespmem:s16], [sflag:$0x1] =	stream.indirect.gather [hbm4b:s4+s15], $0x80, s17, s15, $0xb8;
	[tilespmem:$0x18800] =	vst v63  }
0x2a: {  	_ =	swait.ge [sflag:s12], $0x4000  }
0x2b: {  	[sflag:s12] =	ssyncset.done $0x0  }
0x2c: {  	[sflag:s12] =	ssyncadd.s32 $0xFFFFC000  }
0x2d: {  	[spmem:s2] =	stream.indirect.scatter.add.f32 [tilespmem:s16], [sflag:$0x1], $0x80, s18, s15, $0xb8;
	[tilespmem:$0x18800] =	vst v63  }
0x2e: {  	_ =	swait.ge [sflag:s12], $0x4000  }
0x2f: {  	[sflag:s12] =	ssyncset.done $0x0  }
0x30: {  	[sflag:s12] =	ssyncadd.s32 $0xFFFFC000  }
0x31: {  	[tilespmem:s16], [sflag:$0x1] =	stream.indirect.gather [hbm4b:s4+s15], $0x80, s19, s15, $0xb8;
	[tilespmem:$0x18800] =	vst v63  }
0x32: {  	_ =	swait.ge [sflag:s12], $0x4000  }
0x33: {  	[sflag:s12] =	ssyncset.done $0x0  }
0x34: {  	[sflag:s12] =	ssyncadd.s32 $0xFFFFC000  }
0x35: {  	[spmem:s2] =	stream.indirect.scatter.add.f32 [tilespmem:s16], [sflag:$0x1], $0x80, s20, s15, $0xb8;
	[tilespmem:$0x18800] =	vst v63  }
0x36: {  	_ =	swait.ge [sflag:s12], $0x4000  }
0x37: {  	[sflag:s12] =	ssyncset.done $0x0  }
0x38: {  	[sflag:s12] =	ssyncadd.s32 $0xFFFFC000  }
0x39: {  	[tilespmem:s16], [sflag:$0x1] =	stream.indirect.gather [hbm4b:s4+s15], $0x80, s21, s15, $0xb8;
	[tilespmem:$0x18800] =	vst v63  }
0x3a: {  	_ =	swait.ge [sflag:s12], $0x4000  }
0x3b: {  	[sflag:s12] =	ssyncset.done $0x0  }
0x3c: {  	[sflag:s12] =	ssyncadd.s32 $0xFFFFC000  }
0x3d: {  	[spmem:s2] =	stream.indirect.scatter.add.f32 [tilespmem:s16], [sflag:$0x1], $0x80, s22, s15, $0xb8;
	[tilespmem:$0x18800] =	vst v63  }
0x3e: {  	_ =	swait.ge [sflag:s12], $0x4000  }
0x3f: {  	[sflag:s12] =	ssyncset.done $0x0  }
0x40: {  	[sflag:s12] =	ssyncadd.s32 $0xFFFFC000  }
0x41: {  	[tilespmem:s16], [sflag:$0x1] =	stream.indirect.gather [hbm4b:s4+s15], $0x80, s23, s15, $0xb8;
	[tilespmem:$0x18800] =	vst v63  }
0x42: {  	_ =	swait.ge [sflag:s12], $0x4000  }
0x43: {  	[sflag:s12] =	ssyncset.done $0x0  }
0x44: {  	[sflag:s12] =	ssyncadd.s32 $0xFFFFC000  }
0x45: {  	[spmem:s2] =	stream.indirect.scatter.add.f32 [tilespmem:s16], [sflag:$0x1], $0x80, s24, s15, $0xb8;
	[tilespmem:$0x18800] =	vst v63  }
0x46: {  	_ =	swait.ge [sflag:s12], $0x4000  }
0x47: {  	[sflag:s12] =	ssyncset.done $0x0  }
0x48: {  	[sflag:s12] =	ssyncadd.s32 $0xFFFFC000  }
0x49: {  	[tilespmem:s16], [sflag:$0x1] =	stream.indirect.gather [hbm4b:s4+s15], $0x80, s25, s15, $0xb8;
	[tilespmem:$0x18800] =	vst v63  }
0x4a: {  	_ =	swait.ge [sflag:s12], $0x4000  }
0x4b: {  	[sflag:s12] =	ssyncset.done $0x0  }
0x4c: {  	[sflag:s12] =	ssyncadd.s32 $0xFFFFC000  }
0x4d: {  	[spmem:s2] =	stream.indirect.scatter.add.f32 [tilespmem:s16], [sflag:$0x1], $0x80, s26, s15, $0xb8;
	[tilespmem:$0x18800] =	vst v63  }
0x4e: {  	_ =	swait.ge [sflag:s12], $0x4000  }
0x4f: {  	[sflag:s12] =	ssyncset.done $0x0  }
0x50: {  	[sflag:s12] =	ssyncadd.s32 $0xFFFFC000  }
0x51: {  	[tilespmem:s16], [sflag:$0x1] =	stream.indirect.gather [hbm4b:s4+s15], $0x80, s28, s15, $0xb8;
	[tilespmem:$0x18800] =	vst v63  }
0x52: {  	_ =	swait.ge [sflag:s12], $0x4000  }
0x53: {  	[sflag:s12] =	ssyncset.done $0x0  }
0x54: {  	[sflag:s12] =	ssyncadd.s32 $0xFFFFC000  }
0x55: {  	[spmem:s2] =	stream.indirect.scatter.add.f32 [tilespmem:s16], [sflag:$0x1], $0x80, s29, s15, $0xb8;
	[tilespmem:$0x18800] =	vst v63  }
0x56: {  	_ =	swait.ge [sflag:s12], $0x4000  }
0x57: {  	[sflag:s12] =	ssyncset.done $0x0  }
0x58: {  	[sflag:s12] =	ssyncadd.s32 $0xFFFFC000  }
0x59: {  	[tilespmem:s16], [sflag:$0x1] =	stream.indirect.gather [hbm4b:s4+s15], $0x80, s30, s15, $0xb8;
	[tilespmem:$0x18800] =	vst v63  }
0x5a: {  	_ =	swait.ge [sflag:s12], $0x4000  }
0x5b: {  	[sflag:s12] =	ssyncset.done $0x0  }
0x5c: {  	[sflag:s12] =	ssyncadd.s32 $0xFFFFC000  }
0x5d: {  	[spmem:s2] =	stream.indirect.scatter.add.f32 [tilespmem:s16], [sflag:$0x1], $0x80, s31, s15, $0xb8;
	[tilespmem:$0x18800] =	vst v63  }
0x5e: {  	s11 =	smov.u32 s6;
	_ =	swait.ge [sflag:s12], $0x4000  }
0x5f: {  	s0 =	simm.s32 $0x80;
	s5 =	simm.s32 $0x100;
	[sflag:s12] =	ssyncset.done $0x0  }
.LBB2_2:
0x60: {  	s8 =	sadd.s32 s0, s10  }
0x61: {  	[sflag:s12] =	ssyncadd.s32 $0xFFFFC000;
	s6 =	smov.u32 s5;
	s7 =	sadd.s32 $0x80, s5  }
0x62: {  	[tilespmem:s13], [sflag:$0x1] =	stream.linear.gather [hbm4b:s8+s3], $0x400, $0x38;
	[tilespmem:$0x18800] =	vst v63  }
0x63: {  	p0 =	sne.s32 s5, $0x480;
	_ =	swait.ge [sflag:s12], $0x400  }
0x64: {  	[sflag:s12] =	ssyncset.done $0x0  }
0x65: {  	s5 =	sadd.s32 s0, s9;
	s0 =	smov.u32 s6;
	[sflag:s12] =	ssyncadd.s32 $0xFFFFFC00  }
0x66: {  	[tilespmem:s14], [sflag:$0x1] =	stream.linear.gather [hbm4b:s5+s3], $0x400, $0x38;
	[tilespmem:$0x18800] =	vst v63  }
0x67: {  	_ =	swait.ge [sflag:s12], $0x400  }
0x68: {  	[sflag:s12] =	ssyncset.done $0x0  }
0x69: {  	[sflag:s12] =	ssyncadd.s32 $0xFFFFFC00  }
0x6a: {  	[tilespmem:s16], [sflag:$0x1] =	stream.indirect.gather [hbm4b:s4+s15], $0x80, s13, s15, $0xb8;
	[tilespmem:$0x18800] =	vst v63  }
0x6b: {  	_ =	swait.ge [sflag:s12], $0x4000  }
0x6c: {  	[sflag:s12] =	ssyncset.done $0x0  }
0x6d: {  	[sflag:s12] =	ssyncadd.s32 $0xFFFFC000  }
0x6e: {  	[spmem:s2] =	stream.indirect.scatter.add.f32 [tilespmem:s16], [sflag:$0x1], $0x80, s14, s15, $0xb8;
	[tilespmem:$0x18800] =	vst v63  }
0x6f: {  	_ =	swait.ge [sflag:s12], $0x4000  }
0x70: {  	[sflag:s12] =	ssyncset.done $0x0  }
0x71: {  	[sflag:s12] =	ssyncadd.s32 $0xFFFFC000  }
0x72: {  	[tilespmem:s16], [sflag:$0x1] =	stream.indirect.gather [hbm4b:s4+s15], $0x80, s17, s15, $0xb8;
	[tilespmem:$0x18800] =	vst v63  }
0x73: {  	_ =	swait.ge [sflag:s12], $0x4000  }
0x74: {  	[sflag:s12] =	ssyncset.done $0x0  }
0x75: {  	[sflag:s12] =	ssyncadd.s32 $0xFFFFC000  }
0x76: {  	[spmem:s2] =	stream.indirect.scatter.add.f32 [tilespmem:s16], [sflag:$0x1], $0x80, s18, s15, $0xb8;
	[tilespmem:$0x18800] =	vst v63  }
0x77: {  	_ =	swait.ge [sflag:s12], $0x4000  }
0x78: {  	[sflag:s12] =	ssyncset.done $0x0  }
0x79: {  	[sflag:s12] =	ssyncadd.s32 $0xFFFFC000  }
0x7a: {  	[tilespmem:s16], [sflag:$0x1] =	stream.indirect.gather [hbm4b:s4+s15], $0x80, s19, s15, $0xb8;
	[tilespmem:$0x18800] =	vst v63  }
0x7b: {  	_ =	swait.ge [sflag:s12], $0x4000  }
0x7c: {  	[sflag:s12] =	ssyncset.done $0x0  }
0x7d: {  	[sflag:s12] =	ssyncadd.s32 $0xFFFFC000  }
0x7e: {  	[spmem:s2] =	stream.indirect.scatter.add.f32 [tilespmem:s16], [sflag:$0x1], $0x80, s20, s15, $0xb8;
	[tilespmem:$0x18800] =	vst v63  }
0x7f: {  	_ =	swait.ge [sflag:s12], $0x4000  }
0x80: {  	[sflag:s12] =	ssyncset.done $0x0  }
0x81: {  	[sflag:s12] =	ssyncadd.s32 $0xFFFFC000  }
0x82: {  	[tilespmem:s16], [sflag:$0x1] =	stream.indirect.gather [hbm4b:s4+s15], $0x80, s21, s15, $0xb8;
	[tilespmem:$0x18800] =	vst v63  }
0x83: {  	_ =	swait.ge [sflag:s12], $0x4000  }
0x84: {  	[sflag:s12] =	ssyncset.done $0x0  }
0x85: {  	[sflag:s12] =	ssyncadd.s32 $0xFFFFC000  }
0x86: {  	[spmem:s2] =	stream.indirect.scatter.add.f32 [tilespmem:s16], [sflag:$0x1], $0x80, s22, s15, $0xb8;
	[tilespmem:$0x18800] =	vst v63  }
0x87: {  	_ =	swait.ge [sflag:s12], $0x4000  }
0x88: {  	[sflag:s12] =	ssyncset.done $0x0  }
0x89: {  	[sflag:s12] =	ssyncadd.s32 $0xFFFFC000  }
0x8a: {  	[tilespmem:s16], [sflag:$0x1] =	stream.indirect.gather [hbm4b:s4+s15], $0x80, s23, s15, $0xb8;
	[tilespmem:$0x18800] =	vst v63  }
0x8b: {  	_ =	swait.ge [sflag:s12], $0x4000  }
0x8c: {  	[sflag:s12] =	ssyncset.done $0x0  }
0x8d: {  	[sflag:s12] =	ssyncadd.s32 $0xFFFFC000  }
0x8e: {  	[spmem:s2] =	stream.indirect.scatter.add.f32 [tilespmem:s16], [sflag:$0x1], $0x80, s24, s15, $0xb8;
	[tilespmem:$0x18800] =	vst v63  }
0x8f: {  	_ =	swait.ge [sflag:s12], $0x4000  }
0x90: {  	[sflag:s12] =	ssyncset.done $0x0  }
0x91: {  	[sflag:s12] =	ssyncadd.s32 $0xFFFFC000  }
0x92: {  	[tilespmem:s16], [sflag:$0x1] =	stream.indirect.gather [hbm4b:s4+s15], $0x80, s25, s15, $0xb8;
	[tilespmem:$0x18800] =	vst v63  }
0x93: {  	_ =	swait.ge [sflag:s12], $0x4000  }
0x94: {  	[sflag:s12] =	ssyncset.done $0x0  }
0x95: {  	[sflag:s12] =	ssyncadd.s32 $0xFFFFC000  }
0x96: {  	[spmem:s2] =	stream.indirect.scatter.add.f32 [tilespmem:s16], [sflag:$0x1], $0x80, s26, s15, $0xb8;
	[tilespmem:$0x18800] =	vst v63  }
0x97: {  	_ =	swait.ge [sflag:s12], $0x4000  }
0x98: {  	[sflag:s12] =	ssyncset.done $0x0  }
0x99: {  	[sflag:s12] =	ssyncadd.s32 $0xFFFFC000  }
0x9a: {  	[tilespmem:s16], [sflag:$0x1] =	stream.indirect.gather [hbm4b:s4+s15], $0x80, s28, s15, $0xb8;
	[tilespmem:$0x18800] =	vst v63  }
0x9b: {  	_ =	swait.ge [sflag:s12], $0x4000  }
0x9c: {  	[sflag:s12] =	ssyncset.done $0x0  }
0x9d: {  	[sflag:s12] =	ssyncadd.s32 $0xFFFFC000  }
0x9e: {  	[spmem:s2] =	stream.indirect.scatter.add.f32 [tilespmem:s16], [sflag:$0x1], $0x80, s29, s15, $0xb8;
	[tilespmem:$0x18800] =	vst v63  }
0x9f: {  	_ =	swait.ge [sflag:s12], $0x4000  }
0xa0: {  	[sflag:s12] =	ssyncset.done $0x0  }
0xa1: {  	[sflag:s12] =	ssyncadd.s32 $0xFFFFC000  }
0xa2: {  	[tilespmem:s16], [sflag:$0x1] =	stream.indirect.gather [hbm4b:s4+s15], $0x80, s30, s15, $0xb8;
	[tilespmem:$0x18800] =	vst v63  }
0xa3: {  	_ =	swait.ge [sflag:s12], $0x4000  }
.Ltmp0:
0xa4: {  	[sflag:s12] =	ssyncset.done $0x0;
	(pc) =	sbr.rel @p0 .LBB2_2-.Ltmp0, $4  }
0xa5: {  	[sflag:s12] =	ssyncadd.s32 $0xFFFFC000  }
0xa6: {  	[spmem:s2] =	stream.indirect.scatter.add.f32 [tilespmem:s16], [sflag:$0x1], $0x80, s31, s15, $0xb8;
	[tilespmem:$0x18800] =	vst v63  }
0xa7: {  	_ =	swait.ge [sflag:s12], $0x4000  }
0xa8: {  	s5 =	smov.u32 s7;
	[sflag:s12] =	ssyncset.done $0x0  }
0xa9: {  	s5 =	sadd.s32 s0, s10;
	[sflag:s12] =	ssyncadd.s32 $0xFFFFC000  }
0xaa: {  	[tilespmem:s13], [sflag:$0x1] =	stream.linear.gather [hbm4b:s5+s3], $0x400, $0x38;
	[tilespmem:$0x18800] =	vst v63  }
0xab: {  	_ =	swait.ge [sflag:s12], $0x400  }
0xac: {  	[sflag:s12] =	ssyncset.done $0x0  }
0xad: {  	s7 =	sadd.s32 s0, s9;
	[sflag:s12] =	ssyncadd.s32 $0xFFFFFC00  }
0xae: {  	[tilespmem:s14], [sflag:$0x1] =	stream.linear.gather [hbm4b:s7+s3], $0x400, $0x38;
	[tilespmem:$0x18800] =	vst v63  }
0xaf: {  	_ =	swait.ge [sflag:s12], $0x400  }
0xb0: {  	[sflag:s12] =	ssyncset.done $0x0  }
0xb1: {  	[sflag:s12] =	ssyncadd.s32 $0xFFFFFC00  }
0xb2: {  	[tilespmem:s16], [sflag:$0x1] =	stream.indirect.gather [hbm4b:s4+s15], $0x80, s13, s15, $0xb8;
	[tilespmem:$0x18800] =	vst v63  }
0xb3: {  	_ =	swait.ge [sflag:s12], $0x4000  }
0xb4: {  	[sflag:s12] =	ssyncset.done $0x0  }
0xb5: {  	[sflag:s12] =	ssyncadd.s32 $0xFFFFC000  }
0xb6: {  	[spmem:s2] =	stream.indirect.scatter.add.f32 [tilespmem:s16], [sflag:$0x1], $0x80, s14, s15, $0xb8;
	[tilespmem:$0x18800] =	vst v63  }
0xb7: {  	_ =	swait.ge [sflag:s12], $0x4000  }
0xb8: {  	[sflag:s12] =	ssyncset.done $0x0  }
0xb9: {  	[sflag:s12] =	ssyncadd.s32 $0xFFFFC000  }
0xba: {  	[tilespmem:s16], [sflag:$0x1] =	stream.indirect.gather [hbm4b:s4+s15], $0x80, s17, s15, $0xb8;
	[tilespmem:$0x18800] =	vst v63  }
0xbb: {  	_ =	swait.ge [sflag:s12], $0x4000  }
0xbc: {  	[sflag:s12] =	ssyncset.done $0x0  }
0xbd: {  	[sflag:s12] =	ssyncadd.s32 $0xFFFFC000  }
0xbe: {  	[spmem:s2] =	stream.indirect.scatter.add.f32 [tilespmem:s16], [sflag:$0x1], $0x80, s18, s15, $0xb8;
	[tilespmem:$0x18800] =	vst v63  }
0xbf: {  	_ =	swait.ge [sflag:s12], $0x4000  }
0xc0: {  	[sflag:s12] =	ssyncset.done $0x0  }
0xc1: {  	[sflag:s12] =	ssyncadd.s32 $0xFFFFC000  }
0xc2: {  	[tilespmem:s16], [sflag:$0x1] =	stream.indirect.gather [hbm4b:s4+s15], $0x80, s19, s15, $0xb8;
	[tilespmem:$0x18800] =	vst v63  }
0xc3: {  	_ =	swait.ge [sflag:s12], $0x4000  }
0xc4: {  	[sflag:s12] =	ssyncset.done $0x0  }
0xc5: {  	[sflag:s12] =	ssyncadd.s32 $0xFFFFC000  }
0xc6: {  	[spmem:s2] =	stream.indirect.scatter.add.f32 [tilespmem:s16], [sflag:$0x1], $0x80, s20, s15, $0xb8;
	[tilespmem:$0x18800] =	vst v63  }
0xc7: {  	_ =	swait.ge [sflag:s12], $0x4000  }
0xc8: {  	[sflag:s12] =	ssyncset.done $0x0  }
0xc9: {  	[sflag:s12] =	ssyncadd.s32 $0xFFFFC000  }
0xca: {  	[tilespmem:s16], [sflag:$0x1] =	stream.indirect.gather [hbm4b:s4+s15], $0x80, s21, s15, $0xb8;
	[tilespmem:$0x18800] =	vst v63  }
0xcb: {  	_ =	swait.ge [sflag:s12], $0x4000  }
0xcc: {  	[sflag:s12] =	ssyncset.done $0x0  }
0xcd: {  	[sflag:s12] =	ssyncadd.s32 $0xFFFFC000  }
0xce: {  	[spmem:s2] =	stream.indirect.scatter.add.f32 [tilespmem:s16], [sflag:$0x1], $0x80, s22, s15, $0xb8;
	[tilespmem:$0x18800] =	vst v63  }
0xcf: {  	_ =	swait.ge [sflag:s12], $0x4000  }
0xd0: {  	[sflag:s12] =	ssyncset.done $0x0  }
0xd1: {  	[sflag:s12] =	ssyncadd.s32 $0xFFFFC000  }
0xd2: {  	[tilespmem:s16], [sflag:$0x1] =	stream.indirect.gather [hbm4b:s4+s15], $0x80, s23, s15, $0xb8;
	[tilespmem:$0x18800] =	vst v63  }
0xd3: {  	_ =	swait.ge [sflag:s12], $0x4000  }
0xd4: {  	[sflag:s12] =	ssyncset.done $0x0  }
0xd5: {  	[sflag:s12] =	ssyncadd.s32 $0xFFFFC000  }
0xd6: {  	[spmem:s2] =	stream.indirect.scatter.add.f32 [tilespmem:s16], [sflag:$0x1], $0x80, s24, s15, $0xb8;
	[tilespmem:$0x18800] =	vst v63  }
0xd7: {  	_ =	swait.ge [sflag:s12], $0x4000  }
0xd8: {  	[sflag:s12] =	ssyncset.done $0x0  }
0xd9: {  	[sflag:s12] =	ssyncadd.s32 $0xFFFFC000  }
0xda: {  	[tilespmem:s16], [sflag:$0x1] =	stream.indirect.gather [hbm4b:s4+s15], $0x80, s25, s15, $0xb8;
	[tilespmem:$0x18800] =	vst v63  }
0xdb: {  	_ =	swait.ge [sflag:s12], $0x4000  }
0xdc: {  	[sflag:s12] =	ssyncset.done $0x0  }
0xdd: {  	[sflag:s12] =	ssyncadd.s32 $0xFFFFC000  }
0xde: {  	[spmem:s2] =	stream.indirect.scatter.add.f32 [tilespmem:s16], [sflag:$0x1], $0x80, s26, s15, $0xb8;
	[tilespmem:$0x18800] =	vst v63  }
0xdf: {  	_ =	swait.ge [sflag:s12], $0x4000  }
0xe0: {  	[sflag:s12] =	ssyncset.done $0x0  }
0xe1: {  	[sflag:s12] =	ssyncadd.s32 $0xFFFFC000  }
0xe2: {  	[tilespmem:s16], [sflag:$0x1] =	stream.indirect.gather [hbm4b:s4+s15], $0x80, s28, s15, $0xb8;
	[tilespmem:$0x18800] =	vst v63  }
0xe3: {  	_ =	swait.ge [sflag:s12], $0x4000  }
0xe4: {  	[sflag:s12] =	ssyncset.done $0x0  }
0xe5: {  	[sflag:s12] =	ssyncadd.s32 $0xFFFFC000  }
0xe6: {  	[spmem:s2] =	stream.indirect.scatter.add.f32 [tilespmem:s16], [sflag:$0x1], $0x80, s29, s15, $0xb8;
	[tilespmem:$0x18800] =	vst v63  }
0xe7: {  	_ =	swait.ge [sflag:s12], $0x4000  }
0xe8: {  	[sflag:s12] =	ssyncset.done $0x0  }
0xe9: {  	[sflag:s12] =	ssyncadd.s32 $0xFFFFC000  }
0xea: {  	[tilespmem:s16], [sflag:$0x1] =	stream.indirect.gather [hbm4b:s4+s15], $0x80, s30, s15, $0xb8;
	[tilespmem:$0x18800] =	vst v63  }
0xeb: {  	_ =	swait.ge [sflag:s12], $0x4000  }
0xec: {  	[sflag:s12] =	ssyncset.done $0x0  }
0xed: {  	[sflag:s12] =	ssyncadd.s32 $0xFFFFC000  }
0xee: {  	[spmem:s2] =	stream.indirect.scatter.add.f32 [tilespmem:s16], [sflag:$0x1], $0x80, s31, s15, $0xb8;
	[tilespmem:$0x18800] =	vst v63  }
0xef: {  	_ =	swait.ge [sflag:s12], $0x4000  }
0xf0: {  	[sflag:s12] =	ssyncset.done $0x0  }
0xf1: {  	[sflag:s12] =	ssyncadd.s32 $0xFFFFC000  }
0xf2: {  	[bflag:$0x0] =	sbarrier.arrive $0xFFFF  }
0xf3: {  	s8 =	rddreg [dreg:$0x4]  }
0xf4: {  	s5 =	rddreg [dreg:$0x6]  }
0xf5: {  	[hbm:s8], [sflag:s11] =	dma.local [spmem:s5], $0x2800  }
0xf6: {  	_ =	swait.ge [sflag:s12], $0x2800  }
0xf7: {  	s6 =	smov.u32 s11;
	s1 =	sadd.s32 $0x1, s1;
	s11 =	rddreg [dreg:$0x5]  }
0xf8: {  	p0 =	sne.s32 s1, s11  }
.Ltmp1:
0xf9: {  	_ = 	snop;
	(pc) =	sbr.rel @p0 .LBB2_1-.Ltmp1, $3  }
0xfa: {  	_ =	sdelay $0x1  }
0xfb: {  	[sflag:s12] =	ssyncset.done $0x0  }
0xfc: {  	[sflag:s12] =	ssyncadd.s32 $0xFFFFD800  }
0xfd: {  	_ =	sfence.sel $0x180000  }
0xfe: {  	[bflag:$0x0] =	sbarrier.arrive $0xFFFF  }
0xff: {  	_ =	strace $0x9000004D  }
0x100: {  	s0 =	stileid.u32;
	[bflag:$0x2] =	sbarrier.arrive $0xFFFF  }
0x101: {  	p0 =	sne.s32 s0, $0x0;
	s0 =	rddreg [dreg:$0x2]  }
0x102: {  	s0 =	sadd.s32 @!p0 $0x100000, s0  }
0x103: {  	[sflag:s0] =	ssyncadd.tile.s32 @!p0 $0x1;
	_ =	shalt  }
.Lfunc_end2:
_tile_overlayer_lowered:
.L_overlay_start_2:
0x104: {  	(tag) =	ssettag $0x2  }
0x105: {  	s0 =	rddreg [dreg:$0x0];
	s2 =	stileid.u32  }
0x106: {  	s1 =	rddreg [dreg:$0x1];
	p0 =	sne.s32 s2, $0x0  }
0x107: {  	s3 =	rddreg [dreg:$0x2];
	[bflag:$0x3] =	sbarrier.arrive $0xFFFF;
	s2 =	simm.s32 @!p0 $0x1C01  }
0x108: {  	[timem:s3], [sflag:s2] =	dma.local @!p0 [hbm:s0], s1  }
0x109: {  	s0 =	simm.s32 @!p0 $0x1  }
0x10a: {  	_ =	swait.ge @!p0 [sflag:s0], s1  }
0x10b: {  	s1 =	ssub.s32 @!p0 $0x0, s1;
	[sflag:s0] =	ssyncset.done @!p0 $0x0  }
0x10c: {  	[sflag:s0] =	ssyncadd.s32 @!p0 s1  }
0x10d: {  	[bflag:$0x3] =	sbarrier.arrive $0xFFFF  }
0x10e: {  	_ =	shalt  }

// kernel: kernel.9.cloned.1.call-start
scs
__scs_entry_jumppad:
0x0: {  	(pc) =	sbr.rel $0x88, $3  }
0x1: {  	(tag) =	ssettag $0x0;
	lr =	simm.s32 $0x1  }
0x2: {  	[smem:$0x3F95] =	sst lr;
	_ =	strace $0xD0000000  }
0x3: {  	_ = 	snop  }
0x4: {  	_ = 	snop  }
0x5: {  	_ = 	snop  }
0x6: {  	_ = 	snop  }
0x7: {  	_ = 	snop  }
__scs_overlays_trampoline_lowered:
0x8: {  	[smem:$0x3FA4] =	sst s0  }
0x9: {  	[smem:$0x3FA5] =	sst s1  }
0xa: {  	[smem:$0x3FA6] =	sst s2  }
0xb: {  	[smem:$0x3FA7] =	sst s3  }
0xc: {  	[smem:$0x3FA8] =	sst s4  }
0xd: {  	[smem:$0x3FA9] =	sst s5  }
0xe: {  	[smem:$0x3FAA] =	sst s6  }
0xf: {  	[smem:$0x3FAB] =	sst s7  }
0x10: {  	[smem:$0x3FAC] =	sst s8  }
0x11: {  	[smem:$0x3FAD] =	sst s9;
	s0 =	simm.s32 @!p0 $0x0  }
0x12: {  	s1 =	sld [smem:$0x3F93];
	s0 =	simm.s32 @p0 $0x1  }
0x13: {  	[smem:$0x3FAE] =	sst s0;
	s0 =	simm.s32 @!p1 $0x0  }
0x14: {  	s2 =	sld [smem:$0x3F92];
	s0 =	simm.s32 @p1 $0x1  }
0x15: {  	[smem:$0x3FAF] =	sst s0;
	s0 =	simm.s32 @!p2 $0x0  }
0x16: {  	s3 =	sld [smem:$0x3FDB];
	s0 =	simm.s32 @p2 $0x1  }
0x17: {  	s4 =	simm.s32 $0x1BF5;
	[smem:$0x3FB1] =	sst s0  }
0x18: {  	s0 =	sld [smem:$0x3F94];
	_ =	swait.ge [sflag:s4], $0x0  }
0x19: {  	s7 =	sld [smem:$0x3F95]  }
0x1a: {  	s8 =	sadd.s32 $0xFFFFE003, lr  }
0x1b: {  	s9 =	sadd.s32 $0xFFFFFEF7, lr;
	s5 =	simm.s32 $0xFFFFFFFF;
	p2 =	slt.u32 s8, $0xFFFFF086  }
0x1c: {  	p1 =	slt.u32 s9, $0xF7A;
	s5 =	simm.s32 @!p2 $0x0  }
0x1d: {  	s5 =	simm.s32 @p1 $0x1;
	p0 =	seq.s32 s7, s2  }
0x1e: {  	s7 =	smul.u32 @!p0 $0xF7A, s2;
	p2 =	seq.s32 @!p0 s5, $0x0  }
0x1f: {  	s9 =	smul.u32 $0xF7A, s1;
	s8 =	simm.s32 @!p0 $0x1BF5;
	p2 =	por !p2, p0  }
0x20: {  	[sflag:s8] =	ssyncset.s32 @!p0 $0xFFFFF086;
	s6 =	sadd.s32 @!p0 s3, s7;
	s7 =	simm.s32 @!p0 $0x108  }
0x21: {  	s3 =	sadd.s32 s3, s9;
	s6 =	sadd.s32 @!p0 $0x88, s6;
	s7 =	simm.s32 @p2 $0x1082  }
0x22: {  	[simem:s7], [sflag:s8] =	dma.local @!p0 [hbm:s6], $0xF7A  }
0x23: {  	s9 =	sor.u32 $0xD0000000, s2;
	s6 =	simm.s32 $0x108;
	_ =	swait.ge @!p0 [sflag:s8], $0x0  }
0x24: {  	s3 =	sadd.s32 $0x88, s3;
	s6 =	simm.s32 @!p1 $0x1082;
	[sflag:s4] =	ssyncset.s32 $0xFFFFF086  }
0x25: {  	[simem:s6], [sflag:s4] =	dma.local [hbm:s3], $0xF7A  }
0x26: {  	[smem:$0x3F95] =	sst s1;
	(tag) =	ssettag s2;
	_ =	strace s9  }
0x27: {  	s1 =	sld [smem:$0x3FA5]  }
0x28: {  	s2 =	sld [smem:$0x3FA6]  }
0x29: {  	s4 =	sld [smem:$0x3FA8]  }
0x2a: {  	p0 =	seq.s32 s5, $0x0;
	s5 =	sld [smem:$0x3FA9]  }
0x2b: {  	s6 =	sld [smem:$0x3FAA]  }
0x2c: {  	s7 =	sld [smem:$0x3FAB]  }
0x2d: {  	s3 =	simm.s32 $0x108;
	s8 =	sld [smem:$0x3FAC]  }
0x2e: {  	s3 =	simm.s32 @!p0 $0x1082;
	s9 =	sld [smem:$0x3FAD]  }
0x2f: {  	lr =	sadd.s32 s0, s3;
	s0 =	sld [smem:$0x3FA4]  }
0x30: {  	s3 =	sld [smem:$0x3FA7]  }
0x31: {  	[smem:$0x3FB0] =	sst s10  }
0x32: {  	s10 =	sld [smem:$0x3FAE];
	_ =	sdelay $0x3  }
0x33: {  	p0 =	seq.s32 s10, $0x1;
	s10 =	sld [smem:$0x3FB0];
	_ =	sdelay $0x3  }
0x34: {  	[smem:$0x3FB0] =	sst s10  }
0x35: {  	s10 =	sld [smem:$0x3FAF];
	_ =	sdelay $0x3  }
0x36: {  	p1 =	seq.s32 s10, $0x1;
	s10 =	sld [smem:$0x3FB0];
	_ =	sdelay $0x3  }
0x37: {  	[smem:$0x3FB0] =	sst s10  }
0x38: {  	s10 =	sld [smem:$0x3FB1]  }
0x39: {  	_ = 	snop;
	(pc) =	sbr.ind lr, $3  }
0x3a: {  	_ = 	snop  }
0x3b: {  	_ = 	snop  }
0x3c: {  	p2 =	seq.s32 s10, $0x1;
	s10 =	sld [smem:$0x3FB0]  }
0x3d: {  	_ =	shalt  }
0x3e: {  	_ =	shalt  }
0x3f: {  	_ =	shalt  }
0x40: {  	_ =	shalt  }
0x41: {  	_ =	shalt  }
0x42: {  	_ =	shalt  }
0x43: {  	_ =	shalt  }
0x44: {  	_ =	shalt  }
0x45: {  	_ =	shalt  }
0x46: {  	_ =	shalt  }
0x47: {  	_ =	shalt  }
0x48: {  	_ =	shalt  }
0x49: {  	_ =	shalt  }
0x4a: {  	_ =	shalt  }
0x4b: {  	_ =	shalt  }
0x4c: {  	_ =	shalt  }
0x4d: {  	_ =	shalt  }
0x4e: {  	_ =	shalt  }
0x4f: {  	_ =	shalt  }
0x50: {  	_ =	shalt  }
0x51: {  	_ =	shalt  }
0x52: {  	_ =	shalt  }
0x53: {  	_ =	shalt  }
0x54: {  	_ =	shalt  }
0x55: {  	_ =	shalt  }
0x56: {  	_ =	shalt  }
0x57: {  	_ =	shalt  }
0x58: {  	_ =	shalt  }
0x59: {  	_ =	shalt  }
0x5a: {  	_ =	shalt  }
0x5b: {  	_ =	shalt  }
0x5c: {  	_ =	shalt  }
0x5d: {  	_ =	shalt  }
0x5e: {  	_ =	shalt  }
0x5f: {  	_ =	shalt  }
0x60: {  	_ =	shalt  }
0x61: {  	_ =	shalt  }
0x62: {  	_ =	shalt  }
0x63: {  	_ =	shalt  }
0x64: {  	_ =	shalt  }
0x65: {  	_ =	shalt  }
0x66: {  	_ =	shalt  }
0x67: {  	_ =	shalt  }
0x68: {  	_ =	shalt  }
0x69: {  	_ =	shalt  }
0x6a: {  	_ =	shalt  }
0x6b: {  	_ =	shalt  }
0x6c: {  	_ =	shalt  }
0x6d: {  	_ =	shalt  }
0x6e: {  	_ =	shalt  }
0x6f: {  	_ =	shalt  }
0x70: {  	_ =	shalt  }
0x71: {  	_ =	shalt  }
0x72: {  	_ =	shalt  }
0x73: {  	_ =	shalt  }
0x74: {  	_ =	shalt  }
0x75: {  	_ =	shalt  }
0x76: {  	_ =	shalt  }
0x77: {  	_ =	shalt  }
0x78: {  	_ =	shalt  }
0x79: {  	_ =	shalt  }
0x7a: {  	_ =	shalt  }
0x7b: {  	_ =	shalt  }
0x7c: {  	_ =	shalt  }
0x7d: {  	_ =	shalt  }
0x7e: {  	_ =	shalt  }
0x7f: {  	_ =	shalt  }
0x80: {  	_ =	shalt  }
0x81: {  	_ =	shalt  }
0x82: {  	_ =	shalt  }
0x83: {  	_ =	shalt  }
0x84: {  	_ =	shalt  }
0x85: {  	_ =	shalt  }
0x86: {  	_ =	shalt  }
0x87: {  	_ =	shalt  }
.Lfunc_end0:
.L_simem_size_0:
called_computation_lowered:
.L_overlay_start_0:
0x88: {  	s2 =	sld [smem:$0x3FD9]  }
0x89: {  	s3 =	sld [smem:$0x3FFE];
	_ =	sdelay $0x1  }
0x8a: {  	s1 =	srdreg.scid  }
0x8b: {  	s0 =	sand.u32 $0x1, s1  }
0x8c: {  	s17 =	sshll.u32 s0, $0xA;
	s2 =	sadd.s32 s3, s2  }
0x8d: {  	s2 =	sadd.s32 s2, s17  }
0x8e: {  	[smem:$0x3FBC] =	sst s2  }
0x8f: {  	_ = 	snop  }
0x90: {  	(tm) =	ssettm $0x1  }
0x91: {  	s18 =	sld [smem:$0x3FFB];
	_ =	sdelay $0x3  }
0x92: {  	_ =	strace s18  }
0x93: {  	s2 =	sld [smem:$0x3FFC];
	_ =	sdelay $0x3  }
0x94: {  	_ =	strace s2  }
0x95: {  	s2 =	sld [smem:$0x3FFD];
	_ =	sdelay $0x3  }
0x96: {  	_ =	strace s2  }
0x97: {  	_ =	strace $0x8FFFFFFF  }
0x98: {  	s19 =	sld [smem:$0x3FDB];
	_ =	sdelay $0x1  }
0x99: {  	s20 =	simm.s32 $_scs_section_size  }
0x9a: {  	s4 =	simm.s32 $_size__tile_overlayer_lowered;
	s5 =	simm.s32 $_tile_overlayer_lowered  }
0x9b: {  	s6 =	simm.s32 $0x1BFF;
	s21 =	sshll.u32 s5, $0x1;
	s3 =	sadd.s32 s20, s19  }
0x9c: {  	s22 =	simm.s32 $0x0;
	s4 =	sshll.u32 s4, $0x1;
	s5 =	sadd.s32 s21, s3  }
0x9d: {  	[timem:s22], [sflag:s6] =	dma.local [hbm:s5], s4  }
0x9e: {  	_ =	swait.ge [sflag:s6], s4  }
0x9f: {  	s4 =	ssub.s32 $0x0, s4;
	[sflag:s6] =	ssyncset.done $0x0  }
0xa0: {  	[sflag:s6] =	ssyncadd.s32 s4;
	_ =	sdelay $0x1  }
0xa1: {  	s23 =	simm.s32 $0x1B8B  }
0xa2: {  	_ =	swait.ge [sflag:s23], $0x1  }
0xa3: {  	[sflag:s23] =	ssyncset.done $0x0  }
0xa4: {  	[sflag:s23] =	ssyncadd.s32 $0xFFFFFFFF  }
0xa5: {  	s4 =	sld [smem:$0x0]  }
0xa6: {  	s5 =	sand.u32 $0xFFFFFFFE, s1  }
0xa7: {  	p0 =	sne.s32 s1, s5  }
0xa8: {  	s5 =	sshll.u32 @p0 s5, $0xE  }
0xa9: {  	s5 =	sadd.s32 @p0 $0x11B8D, s5;
	s6 =	sshll.u32 @p0 s4, $0x11  }
0xaa: {  	s5 =	sor.u32 @p0 s6, s5  }
0xab: {  	[sflag:s5] =	ssyncadd.remote.s32 @p0 $0x1;
	_ =	sdelay $0x1  }
0xac: {  	s5 =	simm.s32 @p0 $0x1B8D  }
0xad: {  	_ =	swait.eq @p0 [sflag:s5], $0x1  }
0xae: {  	[sflag:s5] =	ssyncadd.s32 @p0 $0xFFFFFFFF  }
0xaf: {  	s6 =	sshll.u32 @!p0 s1, $0xE  }
0xb0: {  	s6 =	sor.u32 @!p0 $0x4000, s6;
	s5 =	simm.s32 @!p0 $0x1B8D  }
0xb1: {  	s4 =	sshll.u32 @!p0 s4, $0x11;
	s6 =	sadd.s32 @!p0 $0x11B8D, s6;
	_ =	swait.eq @!p0 [sflag:s5], $0x1  }
0xb2: {  	s4 =	sor.u32 @!p0 s4, s6;
	[sflag:s5] =	ssyncadd.s32 @!p0 $0xFFFFFFFF  }
0xb3: {  	s25 =	simm.s32 $0x1B8E;
	s24 =	sld [smem:$0x3FFE];
	[sflag:s4] =	ssyncadd.remote.s32 @!p0 $0x1  }
0xb4: {  	s26 =	simm.s32 $execute0_lowered;
	[smem:$0x3FD2] =	sst s25  }
0xb5: {  	s5 =	sshll.u32 s26, $0x1;
	_ =	strace $0x80000049;
	[dreg:$0x1] =	wrdreg $0xFFFFFFFF  }
0xb6: {  	s28 =	simm.s32 $_size_execute0_lowered;
	s3 =	sadd.s32 s3, s5;
	[dreg:$0x0] =	wrdreg $0x0  }
0xb7: {  	s5 =	sshll.u32 s28, $0x1;
	[dreg:$0x2] =	wrdreg s3  }
0xb8: {  	[dreg:$0x3] =	wrdreg s5  }
0xb9: {  	[dreg:$0x4] =	wrdreg $0xC0  }
0xba: {  	_ =	task [dreg:s22], $0x5FFFF  }
0xbb: {  	[dreg:$0x1] =	wrdreg $0xFFFFFFFF  }
0xbc: {  	[dreg:$0x0] =	wrdreg $0x60  }
0xbd: {  	[dreg:$0x2] =	wrdreg s24  }
0xbe: {  	[dreg:$0x3] =	wrdreg $0x0  }
0xbf: {  	[dreg:$0x4] =	wrdreg $0x9  }
0xc0: {  	_ =	task.clear_ibuf [dreg:s22], $0x5FFFF;
	_ =	strace $0x90000049  }
0xc1: {  	s29 =	simm.s32 $0x9;
	_ =	strace $0x8000004B  }
0xc2: {  	_ =	swait.ge [sflag:s29], $0x1  }
0xc3: {  	[sflag:s29] =	ssyncadd.s32 $0xFFFFFFFF  }
0xc4: {  	_ =	strace $0x9000004B  }
0xc5: {  	_ =	sfence  }
0xc6: {  	s30 =	sld [smem:$0x0];
	_ =	sdelay $0x2  }
0xc7: {  	s31 =	sshll.u32 s1, $0xD;
	s1 =	sshrl.u32 s1, $0x2  }
0xc8: {  	s4 =	sand.u32 $0x4000, s31;
	s1 =	sadd.s32 s1, s30  }
0xc9: {  	s0 =	sor.u32 s4, s0;
	s1 =	sshll.u32 s1, $0x11  }
0xca: {  	s0 =	sor.u32 s1, s0  }
0xcb: {  	s0 =	sadd.s32 $0x8F2B, s0  }
0xcc: {  	[sflag:s0] =	ssyncadd.remote.s32 $0x1  }
0xcd: {  	_ =	sfence.sel $0xFFFF  }
0xce: {  	[dreg:$0x0] =	wrdreg $0xFFFFFFFF;
	(pc) =	sbr.abs _section_cstart, $3  }
0xcf: {  	[dreg:$0x1] =	wrdreg $0xFFFFFFFF  }
0xd0: {  	_ =	task.clear_ibuf [dreg:s22], $0x2FFFF;
	_ =	strace $0x9FFFFFFF  }
0xd1: {  	(tm) =	ssettm $0x7FFFFFFF  }
tec
execute0_lowered:
.L_overlay_start_1:
0x0: {  	(tag) =	ssettag $0x1  }
0x1: {  	s1 =	srdreg.scid;
	s6 =	rddreg [dreg:$0x0]  }
0x2: {  	s0 =	stileid.u32;
	s2 =	rddreg [dreg:$0x1];
	s3 =	simm.s32 $0x0  }
0x3: {  	s12 =	simm.s32 $0x14400;
	s13 =	simm.s32 $0x14000;
	s14 =	simm.s32 $0x80  }
0x4: {  	s15 =	simm.s32 $0x14080;
	s16 =	simm.s32 $0x14100;
	s17 =	simm.s32 $0x14180  }
0x5: {  	s18 =	simm.s32 $0x14200;
	s19 =	simm.s32 $0x14280;
	s20 =	simm.s32 $0x14300  }
0x6: {  	s21 =	simm.s32 $0x14380;
	s22 =	simm.s32 $0x0;
	s4 =	smul.u32 $0x2800, s0  }
0x7: {  	s5 =	sand.u32 $0x1, s1;
	s1 =	rddreg [dreg:$0x2];
	s10 =	smul.u32 $0x50000, s0  }
0x8: {  	[smem:$0x7FF] =	sst s3;
	s31 =	sshll.u32 s0, $0x6;
	s7 =	smul.u32 $0x28000, s5  }
0x9: {  	_ =	strace $0x8000004A;
	s8 =	ssub.s32 $0x2, s5;
	s5 =	sadd.s32 $0x3FA00, s6  }
0xa: {  	s29 =	sshrl.u32 s8, $0x1;
	s30 =	sshrl.u32 s10, $0x2;
	s7 =	sadd.s32 s4, s7  }
0xb: {  	s8 =	ssub.s32 s8, s29;
	s11 =	sadd.s32 s30, s2;
	s4 =	sshrl.u32 s7, $0x3  }
0xc: {  	s7 =	sadd.s32 s7, s6;
	s8 =	smax.u32 s8, $0x1;
	s10 =	sshrl.u32 s11, $0x3  }
0xd: {  	s11 =	simm.s32 $0x1;
	s9 =	sadd.s32 s4, s6;
	s4 =	sadd.s32 $0x92200, s6  }
0xe: {  	s6 =	sor.u32 $0x1C01, s31;
	s7 =	sadd.s32 $0x92A00, s7;
	s9 =	sadd.s32 $0x3A00, s9  }
.LBB2_1:
0xf: {  	[spmem:s10], [sflag:s6] =	dma.local [hbm:s5], $0x2800  }
0x10: {  	_ =	swait.ge [sflag:s11], $0x2800  }
0x11: {  	[sflag:s11] =	ssyncset.done $0x0  }
0x12: {  	[sflag:s11] =	ssyncadd.s32 $0xFFFFD800  }
0x13: {  	[tilespmem:s12], [sflag:$0x1] =	stream.linear.gather [hbm4b:s4+s3], $0x4000, $0x38;
	[tilespmem:$0x18400] =	vst v63  }
0x14: {  	_ =	swait.ge [sflag:s11], $0x4000  }
0x15: {  	[sflag:s11] =	ssyncset.done $0x0  }
0x16: {  	[sflag:s11] =	ssyncadd.s32 $0xFFFFC000  }
0x17: {  	s23 =	sadd.s32 $0x0, s9;
	[bflag:$0x0] =	sbarrier.arrive $0xFFFF  }
0x18: {  	[tilespmem:s13], [sflag:$0x1] =	stream.linear.gather [hbm4b:s23+s3], $0x400, $0x38;
	[tilespmem:$0x18400] =	vst v63  }
0x19: {  	_ =	swait.ge [sflag:s11], $0x400  }
0x1a: {  	[sflag:s11] =	ssyncset.done $0x0  }
0x1b: {  	[sflag:s11] =	ssyncadd.s32 $0xFFFFFC00  }
0x1c: {  	[spmem:s2] =	stream.indirect.scatter.add.f32 [tilespmem:s12], [sflag:$0x1], $0x80, s13, s14, $0xb8;
	[tilespmem:$0x18400] =	vst v63  }
0x1d: {  	_ =	swait.ge [sflag:s11], $0x4000  }
0x1e: {  	[sflag:s11] =	ssyncset.done $0x0  }
0x1f: {  	[sflag:s11] =	ssyncadd.s32 $0xFFFFC000  }
0x20: {  	[spmem:s2] =	stream.indirect.scatter.add.f32 [tilespmem:s12], [sflag:$0x1], $0x80, s15, s14, $0xb8;
	[tilespmem:$0x18400] =	vst v63  }
0x21: {  	_ =	swait.ge [sflag:s11], $0x4000  }
0x22: {  	[sflag:s11] =	ssyncset.done $0x0  }
0x23: {  	[sflag:s11] =	ssyncadd.s32 $0xFFFFC000  }
0x24: {  	[spmem:s2] =	stream.indirect.scatter.add.f32 [tilespmem:s12], [sflag:$0x1], $0x80, s16, s14, $0xb8;
	[tilespmem:$0x18400] =	vst v63  }
0x25: {  	_ =	swait.ge [sflag:s11], $0x4000  }
0x26: {  	[sflag:s11] =	ssyncset.done $0x0  }
0x27: {  	[sflag:s11] =	ssyncadd.s32 $0xFFFFC000  }
0x28: {  	[spmem:s2] =	stream.indirect.scatter.add.f32 [tilespmem:s12], [sflag:$0x1], $0x80, s17, s14, $0xb8;
	[tilespmem:$0x18400] =	vst v63  }
0x29: {  	_ =	swait.ge [sflag:s11], $0x4000  }
0x2a: {  	[sflag:s11] =	ssyncset.done $0x0  }
0x2b: {  	[sflag:s11] =	ssyncadd.s32 $0xFFFFC000  }
0x2c: {  	[spmem:s2] =	stream.indirect.scatter.add.f32 [tilespmem:s12], [sflag:$0x1], $0x80, s18, s14, $0xb8;
	[tilespmem:$0x18400] =	vst v63  }
0x2d: {  	_ =	swait.ge [sflag:s11], $0x4000  }
0x2e: {  	[sflag:s11] =	ssyncset.done $0x0  }
0x2f: {  	[sflag:s11] =	ssyncadd.s32 $0xFFFFC000  }
0x30: {  	[spmem:s2] =	stream.indirect.scatter.add.f32 [tilespmem:s12], [sflag:$0x1], $0x80, s19, s14, $0xb8;
	[tilespmem:$0x18400] =	vst v63  }
0x31: {  	_ =	swait.ge [sflag:s11], $0x4000  }
0x32: {  	[sflag:s11] =	ssyncset.done $0x0  }
0x33: {  	[sflag:s11] =	ssyncadd.s32 $0xFFFFC000  }
0x34: {  	[spmem:s2] =	stream.indirect.scatter.add.f32 [tilespmem:s12], [sflag:$0x1], $0x80, s20, s14, $0xb8;
	[tilespmem:$0x18400] =	vst v63  }
0x35: {  	_ =	swait.ge [sflag:s11], $0x4000  }
0x36: {  	[sflag:s11] =	ssyncset.done $0x0  }
0x37: {  	[sflag:s11] =	ssyncadd.s32 $0xFFFFC000  }
0x38: {  	[spmem:s2] =	stream.indirect.scatter.add.f32 [tilespmem:s12], [sflag:$0x1], $0x80, s21, s14, $0xb8;
	[tilespmem:$0x18400] =	vst v63  }
0x39: {  	_ =	swait.ge [sflag:s11], $0x4000  }
0x3a: {  	s25 =	simm.s32 $0x100;
	s23 =	simm.s32 $0x80;
	[sflag:s11] =	ssyncset.done $0x0  }
.LBB2_2:
0x3b: {  	s26 =	sadd.s32 s23, s9  }
0x3c: {  	[sflag:s11] =	ssyncadd.s32 $0xFFFFC000;
	s23 =	smov.u32 s25;
	s24 =	sadd.s32 $0x80, s25  }
0x3d: {  	[tilespmem:s13], [sflag:$0x1] =	stream.linear.gather [hbm4b:s26+s3], $0x400, $0x38;
	[tilespmem:$0x18400] =	vst v63  }
0x3e: {  	p0 =	sne.s32 s25, $0x480;
	_ =	swait.ge [sflag:s11], $0x400  }
0x3f: {  	[sflag:s11] =	ssyncset.done $0x0  }
0x40: {  	[sflag:s11] =	ssyncadd.s32 $0xFFFFFC00  }
0x41: {  	[spmem:s2] =	stream.indirect.scatter.add.f32 [tilespmem:s12], [sflag:$0x1], $0x80, s13, s14, $0xb8;
	[tilespmem:$0x18400] =	vst v63  }
0x42: {  	_ =	swait.ge [sflag:s11], $0x4000  }
0x43: {  	[sflag:s11] =	ssyncset.done $0x0  }
0x44: {  	[sflag:s11] =	ssyncadd.s32 $0xFFFFC000  }
0x45: {  	[spmem:s2] =	stream.indirect.scatter.add.f32 [tilespmem:s12], [sflag:$0x1], $0x80, s15, s14, $0xb8;
	[tilespmem:$0x18400] =	vst v63  }
0x46: {  	_ =	swait.ge [sflag:s11], $0x4000  }
0x47: {  	[sflag:s11] =	ssyncset.done $0x0  }
0x48: {  	[sflag:s11] =	ssyncadd.s32 $0xFFFFC000  }
0x49: {  	[spmem:s2] =	stream.indirect.scatter.add.f32 [tilespmem:s12], [sflag:$0x1], $0x80, s16, s14, $0xb8;
	[tilespmem:$0x18400] =	vst v63  }
0x4a: {  	_ =	swait.ge [sflag:s11], $0x4000  }
0x4b: {  	[sflag:s11] =	ssyncset.done $0x0  }
0x4c: {  	[sflag:s11] =	ssyncadd.s32 $0xFFFFC000  }
0x4d: {  	[spmem:s2] =	stream.indirect.scatter.add.f32 [tilespmem:s12], [sflag:$0x1], $0x80, s17, s14, $0xb8;
	[tilespmem:$0x18400] =	vst v63  }
0x4e: {  	_ =	swait.ge [sflag:s11], $0x4000  }
0x4f: {  	[sflag:s11] =	ssyncset.done $0x0  }
0x50: {  	[sflag:s11] =	ssyncadd.s32 $0xFFFFC000  }
0x51: {  	[spmem:s2] =	stream.indirect.scatter.add.f32 [tilespmem:s12], [sflag:$0x1], $0x80, s18, s14, $0xb8;
	[tilespmem:$0x18400] =	vst v63  }
0x52: {  	_ =	swait.ge [sflag:s11], $0x4000  }
0x53: {  	[sflag:s11] =	ssyncset.done $0x0  }
0x54: {  	[sflag:s11] =	ssyncadd.s32 $0xFFFFC000  }
0x55: {  	[spmem:s2] =	stream.indirect.scatter.add.f32 [tilespmem:s12], [sflag:$0x1], $0x80, s19, s14, $0xb8;
	[tilespmem:$0x18400] =	vst v63  }
0x56: {  	_ =	swait.ge [sflag:s11], $0x4000  }
0x57: {  	[sflag:s11] =	ssyncset.done $0x0  }
0x58: {  	[sflag:s11] =	ssyncadd.s32 $0xFFFFC000  }
0x59: {  	[spmem:s2] =	stream.indirect.scatter.add.f32 [tilespmem:s12], [sflag:$0x1], $0x80, s20, s14, $0xb8;
	[tilespmem:$0x18400] =	vst v63  }
0x5a: {  	_ =	swait.ge [sflag:s11], $0x4000  }
.Ltmp0:
0x5b: {  	[sflag:s11] =	ssyncset.done $0x0;
	(pc) =	sbr.rel @p0 .LBB2_2-.Ltmp0, $4  }
0x5c: {  	[sflag:s11] =	ssyncadd.s32 $0xFFFFC000  }
0x5d: {  	[spmem:s2] =	stream.indirect.scatter.add.f32 [tilespmem:s12], [sflag:$0x1], $0x80, s21, s14, $0xb8;
	[tilespmem:$0x18400] =	vst v63  }
0x5e: {  	_ =	swait.ge [sflag:s11], $0x4000  }
0x5f: {  	s25 =	smov.u32 s24;
	[sflag:s11] =	ssyncset.done $0x0  }
0x60: {  	s23 =	sadd.s32 s23, s9;
	[sflag:s11] =	ssyncadd.s32 $0xFFFFC000  }
0x61: {  	[tilespmem:s13], [sflag:$0x1] =	stream.linear.gather [hbm4b:s23+s3], $0x400, $0x38;
	[tilespmem:$0x18400] =	vst v63  }
0x62: {  	_ =	swait.ge [sflag:s11], $0x400  }
0x63: {  	[sflag:s11] =	ssyncset.done $0x0  }
0x64: {  	[sflag:s11] =	ssyncadd.s32 $0xFFFFFC00  }
0x65: {  	[spmem:s2] =	stream.indirect.scatter.add.f32 [tilespmem:s12], [sflag:$0x1], $0x80, s13, s14, $0xb8;
	[tilespmem:$0x18400] =	vst v63  }
0x66: {  	_ =	swait.ge [sflag:s11], $0x4000  }
0x67: {  	[sflag:s11] =	ssyncset.done $0x0  }
0x68: {  	[sflag:s11] =	ssyncadd.s32 $0xFFFFC000  }
0x69: {  	[spmem:s2] =	stream.indirect.scatter.add.f32 [tilespmem:s12], [sflag:$0x1], $0x80, s15, s14, $0xb8;
	[tilespmem:$0x18400] =	vst v63  }
0x6a: {  	_ =	swait.ge [sflag:s11], $0x4000  }
0x6b: {  	[sflag:s11] =	ssyncset.done $0x0  }
0x6c: {  	[sflag:s11] =	ssyncadd.s32 $0xFFFFC000  }
0x6d: {  	[spmem:s2] =	stream.indirect.scatter.add.f32 [tilespmem:s12], [sflag:$0x1], $0x80, s16, s14, $0xb8;
	[tilespmem:$0x18400] =	vst v63  }
0x6e: {  	_ =	swait.ge [sflag:s11], $0x4000  }
0x6f: {  	[sflag:s11] =	ssyncset.done $0x0  }
0x70: {  	[sflag:s11] =	ssyncadd.s32 $0xFFFFC000  }
0x71: {  	[spmem:s2] =	stream.indirect.scatter.add.f32 [tilespmem:s12], [sflag:$0x1], $0x80, s17, s14, $0xb8;
	[tilespmem:$0x18400] =	vst v63  }
0x72: {  	_ =	swait.ge [sflag:s11], $0x4000  }
0x73: {  	[sflag:s11] =	ssyncset.done $0x0  }
0x74: {  	[sflag:s11] =	ssyncadd.s32 $0xFFFFC000  }
0x75: {  	[spmem:s2] =	stream.indirect.scatter.add.f32 [tilespmem:s12], [sflag:$0x1], $0x80, s18, s14, $0xb8;
	[tilespmem:$0x18400] =	vst v63  }
0x76: {  	_ =	swait.ge [sflag:s11], $0x4000  }
0x77: {  	[sflag:s11] =	ssyncset.done $0x0  }
0x78: {  	[sflag:s11] =	ssyncadd.s32 $0xFFFFC000  }
0x79: {  	[spmem:s2] =	stream.indirect.scatter.add.f32 [tilespmem:s12], [sflag:$0x1], $0x80, s19, s14, $0xb8;
	[tilespmem:$0x18400] =	vst v63  }
0x7a: {  	_ =	swait.ge [sflag:s11], $0x4000  }
0x7b: {  	[sflag:s11] =	ssyncset.done $0x0  }
0x7c: {  	[sflag:s11] =	ssyncadd.s32 $0xFFFFC000  }
0x7d: {  	[spmem:s2] =	stream.indirect.scatter.add.f32 [tilespmem:s12], [sflag:$0x1], $0x80, s20, s14, $0xb8;
	[tilespmem:$0x18400] =	vst v63  }
0x7e: {  	_ =	swait.ge [sflag:s11], $0x4000  }
0x7f: {  	[sflag:s11] =	ssyncset.done $0x0  }
0x80: {  	[sflag:s11] =	ssyncadd.s32 $0xFFFFC000  }
0x81: {  	[spmem:s2] =	stream.indirect.scatter.add.f32 [tilespmem:s12], [sflag:$0x1], $0x80, s21, s14, $0xb8;
	[tilespmem:$0x18400] =	vst v63  }
0x82: {  	_ =	swait.ge [sflag:s11], $0x4000  }
0x83: {  	s22 =	sadd.s32 $0x1, s22;
	[sflag:s11] =	ssyncset.done $0x0  }
0x84: {  	p0 =	sne.s32 s22, s8;
	[sflag:s11] =	ssyncadd.s32 $0xFFFFC000  }
.Ltmp1:
0x85: {  	[bflag:$0x0] =	sbarrier.arrive $0xFFFF;
	(pc) =	sbr.rel @p0 .LBB2_1-.Ltmp1, $4  }
0x86: {  	[hbm:s7], [sflag:s6] =	dma.local [spmem:s10], $0x2800  }
0x87: {  	_ =	swait.ge [sflag:s11], $0x2800  }
0x88: {  	[sflag:s11] =	ssyncset.done $0x0  }
0x89: {  	[sflag:s11] =	ssyncadd.s32 $0xFFFFD800  }
0x8a: {  	_ =	sfence.sel $0x180000  }
0x8b: {  	[bflag:$0x0] =	sbarrier.arrive $0xFFFF  }
0x8c: {  	p0 =	sne.s32 s0, $0x0;
	_ =	strace $0x9000004A  }
0x8d: {  	s0 =	sadd.s32 @!p0 $0x100000, s1;
	[bflag:$0x2] =	sbarrier.arrive $0xFFFF  }
0x8e: {  	[sflag:s0] =	ssyncadd.tile.s32 @!p0 $0x1;
	_ =	shalt  }
.Lfunc_end2:
_tile_overlayer_lowered:
.L_overlay_start_2:
0x8f: {  	(tag) =	ssettag $0x2  }
0x90: {  	s0 =	rddreg [dreg:$0x0];
	s2 =	stileid.u32  }
0x91: {  	s1 =	rddreg [dreg:$0x1];
	p0 =	sne.s32 s2, $0x0  }
0x92: {  	s3 =	rddreg [dreg:$0x2];
	[bflag:$0x3] =	sbarrier.arrive $0xFFFF;
	s2 =	simm.s32 @!p0 $0x1C01  }
0x93: {  	[timem:s3], [sflag:s2] =	dma.local @!p0 [hbm:s0], s1  }
0x94: {  	s0 =	simm.s32 @!p0 $0x1  }
0x95: {  	_ =	swait.ge @!p0 [sflag:s0], s1  }
0x96: {  	s1 =	ssub.s32 @!p0 $0x0, s1;
	[sflag:s0] =	ssyncset.done @!p0 $0x0  }
0x97: {  	[sflag:s0] =	ssyncadd.s32 @!p0 s1  }
0x98: {  	[bflag:$0x3] =	sbarrier.arrive $0xFFFF  }
0x99: {  	_ =	shalt  }

</sc_bundles>
